<compile_context>
chip_gen: v7x
topology: tpu7x:2x2x1
jax: 0.10.2.dev20260603
libtpu: 0.0.44.dev20260713+nightly
codegen_flags: <defaults>
</compile_context>

<pallas_src>
import jax
import jax.numpy as jnp
from jax import lax
from jax.experimental import pallas as pl
from jax.experimental.pallas import tpu as pltpu
from jax.experimental.pallas import tpu_sc as plsc

N_NODES = 10000
N_EDGES = 320000
D = 128
CHUNK = 64
N_CHUNKS = N_EDGES // CHUNK
NC, NS = 2, 16
NW = NC * NS
BASE_L = N_CHUNKS // NW
REM_L = N_CHUNKS - BASE_L * NW
RING = 4
ROWS_PER_TILE = 624
ROWS_TAIL = N_NODES - NS * ROWS_PER_TILE
CNT_W = 16


def _sc_scatter_body(edge_hbm, ei_hbm, sums_out, cnts_out,
                     buf0, buf1, buf2, buf3, idx0, idx1, idx2, idx3,
                     ones_v, zc_v, sums_sh, cnts_sh,
                     sd0, sd1, sd2, sd3, si0, si1, si2, si3,
                     ss0, ss1, ss2, ss3, so0, so1, so2, so3):
    cid = lax.axis_index("c")
    sid = lax.axis_index("s")
    wid = sid * NC + cid

    bufs = (buf0, buf1, buf2, buf3)
    idxs = (idx0, idx1, idx2, idx3)
    sds = (sd0, sd1, sd2, sd3)
    sis = (si0, si1, si2, si3)
    sss = (ss0, ss1, ss2, ss3)
    sos = (so0, so1, so2, so3)

    zeros16 = jnp.zeros((16,), jnp.float32)
    ones16 = jnp.ones((16,), jnp.float32)

    def fill_zero(i, _):
        for k in range(D // 16):
            buf0[i, pl.ds(k * 16, 16)] = zeros16
        zc_v[i] = zeros16
        ones_v[i] = ones16
        return 0

    lax.fori_loop(0, CHUNK, fill_zero, 0)

    H = CHUNK // 2

    def start_loads(c, b):
        pltpu.async_copy(edge_hbm.at[pl.ds(c * CHUNK, H)],
                         bufs[b].at[pl.ds(0, H)], sds[b])
        pltpu.async_copy(edge_hbm.at[pl.ds(c * CHUNK + H, H)],
                         bufs[b].at[pl.ds(H, H)], sds[b])
        pltpu.async_copy(ei_hbm.at[1, pl.ds(c * CHUNK, CHUNK)], idxs[b], sis[b])

    def wait_loads(b):
        pltpu.make_async_copy(edge_hbm.at[pl.ds(0, H)],
                              bufs[b].at[pl.ds(0, H)], sds[b]).wait()
        pltpu.make_async_copy(edge_hbm.at[pl.ds(0, H)],
                              bufs[b].at[pl.ds(H, H)], sds[b]).wait()
        pltpu.make_async_copy(ei_hbm.at[1, pl.ds(0, CHUNK)], idxs[b], sis[b]).wait()

    def start_scat(b):
        pltpu.async_copy(bufs[b], sums_sh.at[idxs[b]], sss[b], add=True)
        pltpu.async_copy(ones_v, cnts_sh.at[idxs[b]], sos[b], add=True)

    def wait_scat(b):
        pltpu.make_async_copy(bufs[b], sums_sh.at[idxs[b]], sss[b]).wait()
        pltpu.make_async_copy(ones_v, cnts_sh.at[idxs[b]], sos[b]).wait()

    start = wid * BASE_L

    start_loads(start + 1, 1)
    start_loads(start + 2, 2)
    start_loads(start + 3, 3)

    base = sid * ROWS_PER_TILE
    nz = ROWS_PER_TILE // CHUNK
    zt = ROWS_PER_TILE - nz * CHUNK
    for k in range(nz):
        pltpu.async_copy(buf0, sums_sh.at[pl.ds(base + k * CHUNK, CHUNK)], ss0)
        pltpu.async_copy(zc_v, cnts_sh.at[pl.ds(base + k * CHUNK, CHUNK)], so0)
    pltpu.async_copy(buf0.at[pl.ds(0, zt)],
                     sums_sh.at[pl.ds(base + nz * CHUNK, zt)], ss0)
    pltpu.async_copy(zc_v.at[pl.ds(0, zt)],
                     cnts_sh.at[pl.ds(base + nz * CHUNK, zt)], so0)

    @pl.when(sid == NS - 1)
    def _():
        t0 = NS * ROWS_PER_TILE
        pltpu.async_copy(buf0.at[pl.ds(0, ROWS_TAIL)],
                         sums_sh.at[pl.ds(t0, ROWS_TAIL)], ss0)
        pltpu.async_copy(zc_v.at[pl.ds(0, ROWS_TAIL)],
                         cnts_sh.at[pl.ds(t0, ROWS_TAIL)], so0)

    for k in range(nz):
        pltpu.make_async_copy(buf0, sums_sh.at[pl.ds(base, CHUNK)], ss0).wait()
        pltpu.make_async_copy(zc_v, cnts_sh.at[pl.ds(base, CHUNK)], so0).wait()
    pltpu.make_async_copy(buf0.at[pl.ds(0, zt)],
                          sums_sh.at[pl.ds(base, zt)], ss0).wait()
    pltpu.make_async_copy(zc_v.at[pl.ds(0, zt)],
                          cnts_sh.at[pl.ds(base, zt)], so0).wait()

    @pl.when(sid == NS - 1)
    def _():
        pltpu.make_async_copy(buf0.at[pl.ds(0, ROWS_TAIL)],
                              sums_sh.at[pl.ds(0, ROWS_TAIL)], ss0).wait()
        pltpu.make_async_copy(zc_v.at[pl.ds(0, ROWS_TAIL)],
                              cnts_sh.at[pl.ds(0, ROWS_TAIL)], so0).wait()

    plsc.subcore_barrier()

    start_loads(start, 0)

    wait_loads(0)
    start_scat(0)

    def body(j, _):
        for u in range(4):
            b = (1 + u) % RING
            c = start + 1 + 4 * j + u
            wait_loads(b)
            start_scat(b)
            wait_scat(u)
            start_loads(c + 3, u)
        return 0

    lax.fori_loop(0, (BASE_L - 4) // 4, body, 0)

    wait_loads(1)
    start_scat(1)
    wait_scat(0)
    wait_loads(2)
    start_scat(2)
    wait_scat(1)
    wait_loads(3)
    start_scat(3)
    wait_scat(2)
    wait_scat(3)

    @pl.when(wid < REM_L)
    def _():
        c = NW * BASE_L + wid
        pltpu.sync_copy(edge_hbm.at[pl.ds(c * CHUNK, CHUNK)], buf0)
        pltpu.sync_copy(ei_hbm.at[1, pl.ds(c * CHUNK, CHUNK)], idx0)
        pltpu.sync_copy(buf0, sums_sh.at[idx0], add=True)
        pltpu.sync_copy(ones_v, cnts_sh.at[idx0], add=True)

    plsc.subcore_barrier()

    pltpu.async_copy(sums_sh.at[pl.ds(base, ROWS_PER_TILE)],
                     sums_out.at[cid, pl.ds(base, ROWS_PER_TILE)], sd0)
    pltpu.async_copy(cnts_sh.at[pl.ds(base, ROWS_PER_TILE)],
                     cnts_out.at[cid, pl.ds(base, ROWS_PER_TILE)], si0)

    @pl.when(sid == NS - 1)
    def _():
        t0 = NS * ROWS_PER_TILE
        pltpu.async_copy(sums_sh.at[pl.ds(t0, ROWS_TAIL)],
                         sums_out.at[cid, pl.ds(t0, ROWS_TAIL)], sd0)
        pltpu.async_copy(cnts_sh.at[pl.ds(t0, ROWS_TAIL)],
                         cnts_out.at[cid, pl.ds(t0, ROWS_TAIL)], si0)

    pltpu.make_async_copy(sums_sh.at[pl.ds(base, ROWS_PER_TILE)],
                          sums_out.at[cid, pl.ds(base, ROWS_PER_TILE)],
                          sd0).wait()
    pltpu.make_async_copy(cnts_sh.at[pl.ds(base, ROWS_PER_TILE)],
                          cnts_out.at[cid, pl.ds(base, ROWS_PER_TILE)],
                          si0).wait()

    @pl.when(sid == NS - 1)
    def _():
        t0 = NS * ROWS_PER_TILE
        pltpu.make_async_copy(sums_sh.at[pl.ds(t0, ROWS_TAIL)],
                              sums_out.at[cid, pl.ds(t0, ROWS_TAIL)],
                              sd0).wait()
        pltpu.make_async_copy(cnts_sh.at[pl.ds(t0, ROWS_TAIL)],
                              cnts_out.at[cid, pl.ds(t0, ROWS_TAIL)],
                              si0).wait()


@jax.jit
def _sc_scatter(edge_attr, edge_index):
    mesh = plsc.VectorSubcoreMesh(core_axis_name="c", subcore_axis_name="s")
    return pl.kernel(
        _sc_scatter_body,
        out_type=[
            jax.ShapeDtypeStruct((NC, N_NODES, D), jnp.float32),
            jax.ShapeDtypeStruct((NC, N_NODES, CNT_W), jnp.float32),
        ],
        mesh=mesh,
        scratch_types=(
            [pltpu.VMEM((CHUNK, D), jnp.float32)] * RING
            + [pltpu.VMEM((CHUNK,), jnp.int32)] * RING
            + [pltpu.VMEM((CHUNK, CNT_W), jnp.float32)] * 2
            + [pltpu.VMEM_SHARED((N_NODES, D), jnp.float32),
               pltpu.VMEM_SHARED((N_NODES, CNT_W), jnp.float32)]
            + [pltpu.SemaphoreType.DMA] * (4 * RING)
        ),
        compiler_params=pltpu.CompilerParams(use_tc_tiling_on_sc=False),
        name="scatter_mean_sc",
    )(edge_attr, edge_index)


BLK = 2000


def _mlp_body(x_ref, s0_ref, s1_ref, c0_ref, c1_ref,
              w1a_ref, w1b_ref, b1_ref, w2_ref, b2_ref, o_ref):
    cnt = c0_ref[0, :, 0:1] + c1_ref[0, :, 0:1]
    agg = (s0_ref[0] + s1_ref[0]) / jnp.maximum(cnt, 1.0)
    h = (jnp.dot(x_ref[...], w1a_ref[...], preferred_element_type=jnp.float32)
         + jnp.dot(agg, w1b_ref[...], preferred_element_type=jnp.float32)
         + b1_ref[...])
    h = jnp.maximum(h, 0.0)
    o_ref[...] = (jnp.dot(h, w2_ref[...], preferred_element_type=jnp.float32)
                  + b2_ref[...])


@jax.jit
def _mlp(x, sums, cnts, w1a, w1b, b1, w2, b2):
    grid = (N_NODES // BLK,)
    row_spec = pl.BlockSpec((BLK, D), lambda i: (i, 0))
    part_spec = lambda w, c: pl.BlockSpec((1, BLK, w), lambda i, c=c: (c, i, 0))
    full_spec = lambda r, w: pl.BlockSpec((r, w), lambda i: (0, 0))
    return pl.pallas_call(
        _mlp_body,
        grid=grid,
        in_specs=[
            row_spec,
            part_spec(D, 0), part_spec(D, 1),
            part_spec(CNT_W, 0), part_spec(CNT_W, 1),
            full_spec(D, D), full_spec(D, D), full_spec(1, D),
            full_spec(D, D), full_spec(1, D),
        ],
        out_specs=row_spec,
        out_shape=jax.ShapeDtypeStruct((N_NODES, D), jnp.float32),
    )(x, sums, sums, cnts, cnts, w1a, w1b, b1, w2, b2)


def kernel(x, edge_index, edge_attr, W1, b1, W2, b2):
    sums, cnts = _sc_scatter(edge_attr, edge_index.astype(jnp.int32))
    return _mlp(x, sums, cnts,
                W1[:D], W1[D:], b1.reshape(1, D), W2, b2.reshape(1, D))

# --- scband reference (transcript-rebuilt; emitter-appended) ---
"""Pipeline reference for scband-message-passing-node-module-20504173871665 (READ-ONLY COPY).

The authoritative reference and input builder live on the scoring server;
editing this copy changes nothing except your own understanding.
"""

import jax, jax.numpy as jnp
import numpy as np

N_NODES = 10000
N_EDGES = 320000
D = 128  # latent_dimension; node feat dim = D, edge feat dim = D
IN_FEATURES = 2 * D  # cat([x, aggregated_edge_features])


def setup_inputs(seed: int = 0) -> dict:
    key = jax.random.key(seed)
    k1, k2, k3, k4, k5 = jax.random.split(key, 5)
    x = jax.random.normal(k1, (N_NODES, D), dtype=jnp.float32)
    edge_index = jax.random.randint(k2, (2, N_EDGES), 0, N_NODES)
    edge_attr = jax.random.normal(k3, (N_EDGES, D), dtype=jnp.float32)
    # LatentMLP parameters: Linear(in_features -> latent) + ReLU + Linear(latent -> latent)
    W1 = jax.random.normal(k4, (IN_FEATURES, D), dtype=jnp.float32) * 0.05
    b1 = jnp.zeros((D,), dtype=jnp.float32)
    W2 = jax.random.normal(k5, (D, D), dtype=jnp.float32) * 0.05
    b2 = jnp.zeros((D,), dtype=jnp.float32)
    return {"x": x, "edge_index": edge_index, "edge_attr": edge_attr,
            "W1": W1, "b1": b1, "W2": W2, "b2": b2}


def reference(x, edge_index, edge_attr, W1, b1, W2, b2):
    # _, dest_indices = graph.edge_index
    dest = edge_index[1]
    n = x.shape[0]
    # scatter_mean(edge_attr, dest, dim=0, dim_size=n)
    summed = jax.ops.segment_sum(edge_attr, dest, num_segments=n)
    counts = jax.ops.segment_sum(jnp.ones((edge_attr.shape[0],), dtype=edge_attr.dtype), dest, num_segments=n)
    aggregated_edge_features = summed / jnp.clip(counts, 1.0)[:, None]
    # torch.cat([x, aggregated_edge_features], dim=1)
    aggregated_features = jnp.concatenate([x, aggregated_edge_features], axis=1)
    # LatentMLP: Linear -> ReLU -> Linear
    h = jnp.maximum(aggregated_features @ W1 + b1, 0.0)
    new_x = h @ W2 + b2
    return new_x

if __name__ == "__main__":
    import jax
    _d = setup_inputs()
    print(jax.jit(kernel)(*tuple(_d.values())))

</pallas_src>

<mosaic_0001>
#map = affine_map<(d0, d1) -> (0, 0)>
#map1 = affine_map<(d0, d1) -> (0, 0, 0)>
module attributes {stable_mosaic.version = 14 : i64} {
  func.func @scatter_mean_sc(%arg0: i32, %arg1: i32, %arg2: memref<320000x128xf32, #tpu.memory_space<hbm>>, %arg3: memref<2x320000xi32, #tpu.memory_space<hbm>>, %arg4: memref<2x10000x128xf32, #tpu.memory_space<hbm>>, %arg5: memref<2x10000x16xf32, #tpu.memory_space<hbm>>, %arg6: memref<64x128xf32, #tpu.memory_space<vmem>>, %arg7: memref<64x128xf32, #tpu.memory_space<vmem>>, %arg8: memref<64x128xf32, #tpu.memory_space<vmem>>, %arg9: memref<64x128xf32, #tpu.memory_space<vmem>>, %arg10: memref<64xi32, #tpu.memory_space<vmem>>, %arg11: memref<64xi32, #tpu.memory_space<vmem>>, %arg12: memref<64xi32, #tpu.memory_space<vmem>>, %arg13: memref<64xi32, #tpu.memory_space<vmem>>, %arg14: memref<64x16xf32, #tpu.memory_space<vmem>>, %arg15: memref<64x16xf32, #tpu.memory_space<vmem>>, %arg16: memref<10000x128xf32, #tpu.memory_space<vmem_shared>>, %arg17: memref<10000x16xf32, #tpu.memory_space<vmem_shared>>, %arg18: memref<!tpu.dma_semaphore, #tpu.memory_space<semaphore_mem>>, %arg19: memref<!tpu.dma_semaphore, #tpu.memory_space<semaphore_mem>>, %arg20: memref<!tpu.dma_semaphore, #tpu.memory_space<semaphore_mem>>, %arg21: memref<!tpu.dma_semaphore, #tpu.memory_space<semaphore_mem>>, %arg22: memref<!tpu.dma_semaphore, #tpu.memory_space<semaphore_mem>>, %arg23: memref<!tpu.dma_semaphore, #tpu.memory_space<semaphore_mem>>, %arg24: memref<!tpu.dma_semaphore, #tpu.memory_space<semaphore_mem>>, %arg25: memref<!tpu.dma_semaphore, #tpu.memory_space<semaphore_mem>>, %arg26: memref<!tpu.dma_semaphore, #tpu.memory_space<semaphore_mem>>, %arg27: memref<!tpu.dma_semaphore, #tpu.memory_space<semaphore_mem>>, %arg28: memref<!tpu.dma_semaphore, #tpu.memory_space<semaphore_mem>>, %arg29: memref<!tpu.dma_semaphore, #tpu.memory_space<semaphore_mem>>, %arg30: memref<!tpu.dma_semaphore, #tpu.memory_space<semaphore_mem>>, %arg31: memref<!tpu.dma_semaphore, #tpu.memory_space<semaphore_mem>>, %arg32: memref<!tpu.dma_semaphore, #tpu.memory_space<semaphore_mem>>, %arg33: memref<!tpu.dma_semaphore, #tpu.memory_space<semaphore_mem>>) attributes {dimension_semantics = [#tpu.dimension_semantics<core_parallel>, #tpu.dimension_semantics<subcore_parallel>], iteration_bounds = array<i64: 2, 16>, scalar_prefetch = 0 : i64, scratch_operands = 28 : i64, tpu.core_type = #tpu.core_type<sc_vector_subcore>, window_params = [{transform_indices = #map}, {transform_indices = #map}, {transform_indices = #map1}, {transform_indices = #map1}]} {
    %mul3A = arith.constant 2 : i32
    %mul3A_0 = arith.muli %arg1, %mul3A : i32
    %add3A = arith.addi %mul3A_0, %arg0 : i32
    %broadcast_in_dim3A = arith.constant 0.000000e+00 : f32
    %broadcast_in_dim3A_1 = vector.broadcast %broadcast_in_dim3A : f32 to vector<16xf32>
    %broadcast_in_dim3A_2 = arith.constant 1.000000e+00 : f32
    %broadcast_in_dim3A_3 = vector.broadcast %broadcast_in_dim3A_2 : f32 to vector<16xf32>
    %scan3A = arith.constant 0 : i32
    %scan3A_4 = arith.constant 0 : i32
    %scan3A_5 = arith.constant 64 : i32
    %scan3A_6 = arith.addi %scan3A_4, %scan3A_5 : i32
    %scan3A_7 = arith.constant 1 : i32
    %scan3A_8 = scf.for %scan3A_595 = %scan3A_4 to %scan3A_6 step %scan3A_7 iter_args(%scan3A_596 = %scan3A) -> (i32)  : i32 {
      %swap3A = arith.index_cast %scan3A_595 : i32 to index
      %swap3A_597 = arith.constant 0 : index
      %swap3A_598 = tpu.vector_load %arg6[%swap3A, %swap3A_597] {strides = array<i32>} : memref<64x128xf32, #tpu.memory_space<vmem>>, vector<1x16xf32>,
      %swap3A_599 = vector.shape_cast %swap3A_598 : vector<1x16xf32> to vector<16xf32>
      %swap3A_600 = vector.shape_cast %broadcast_in_dim3A_1 : vector<16xf32> to vector<1x16xf32>
      tpu.vector_store %arg6[%swap3A, %swap3A_597], %swap3A_600 {strides = array<i32>} : memref<64x128xf32, #tpu.memory_space<vmem>>, vector<1x16xf32>,
      %swap3A_601 = arith.index_cast %scan3A_595 : i32 to index
      %swap3A_602 = arith.constant 16 : index
      %swap3A_603 = tpu.vector_load %arg6[%swap3A_601, %swap3A_602] {strides = array<i32>} : memref<64x128xf32, #tpu.memory_space<vmem>>, vector<1x16xf32>,
      %swap3A_604 = vector.shape_cast %swap3A_603 : vector<1x16xf32> to vector<16xf32>
      %swap3A_605 = vector.shape_cast %broadcast_in_dim3A_1 : vector<16xf32> to vector<1x16xf32>
      tpu.vector_store %arg6[%swap3A_601, %swap3A_602], %swap3A_605 {strides = array<i32>} : memref<64x128xf32, #tpu.memory_space<vmem>>, vector<1x16xf32>,
      %swap3A_606 = arith.index_cast %scan3A_595 : i32 to index
      %swap3A_607 = arith.constant 32 : index
      %swap3A_608 = tpu.vector_load %arg6[%swap3A_606, %swap3A_607] {strides = array<i32>} : memref<64x128xf32, #tpu.memory_space<vmem>>, vector<1x16xf32>,
      %swap3A_609 = vector.shape_cast %swap3A_608 : vector<1x16xf32> to vector<16xf32>
      %swap3A_610 = vector.shape_cast %broadcast_in_dim3A_1 : vector<16xf32> to vector<1x16xf32>
      tpu.vector_store %arg6[%swap3A_606, %swap3A_607], %swap3A_610 {strides = array<i32>} : memref<64x128xf32, #tpu.memory_space<vmem>>, vector<1x16xf32>,
      %swap3A_611 = arith.index_cast %scan3A_595 : i32 to index
      %swap3A_612 = arith.constant 48 : index
      %swap3A_613 = tpu.vector_load %arg6[%swap3A_611, %swap3A_612] {strides = array<i32>} : memref<64x128xf32, #tpu.memory_space<vmem>>, vector<1x16xf32>,
      %swap3A_614 = vector.shape_cast %swap3A_613 : vector<1x16xf32> to vector<16xf32>
      %swap3A_615 = vector.shape_cast %broadcast_in_dim3A_1 : vector<16xf32> to vector<1x16xf32>
      tpu.vector_store %arg6[%swap3A_611, %swap3A_612], %swap3A_615 {strides = array<i32>} : memref<64x128xf32, #tpu.memory_space<vmem>>, vector<1x16xf32>,
      %swap3A_616 = arith.index_cast %scan3A_595 : i32 to index
      %swap3A_617 = arith.constant 64 : index
      %swap3A_618 = tpu.vector_load %arg6[%swap3A_616, %swap3A_617] {strides = array<i32>} : memref<64x128xf32, #tpu.memory_space<vmem>>, vector<1x16xf32>,
      %swap3A_619 = vector.shape_cast %swap3A_618 : vector<1x16xf32> to vector<16xf32>
      %swap3A_620 = vector.shape_cast %broadcast_in_dim3A_1 : vector<16xf32> to vector<1x16xf32>
      tpu.vector_store %arg6[%swap3A_616, %swap3A_617], %swap3A_620 {strides = array<i32>} : memref<64x128xf32, #tpu.memory_space<vmem>>, vector<1x16xf32>,
      %swap3A_621 = arith.index_cast %scan3A_595 : i32 to index
      %swap3A_622 = arith.constant 80 : index
      %swap3A_623 = tpu.vector_load %arg6[%swap3A_621, %swap3A_622] {strides = array<i32>} : memref<64x128xf32, #tpu.memory_space<vmem>>, vector<1x16xf32>,
      %swap3A_624 = vector.shape_cast %swap3A_623 : vector<1x16xf32> to vector<16xf32>
      %swap3A_625 = vector.shape_cast %broadcast_in_dim3A_1 : vector<16xf32> to vector<1x16xf32>
      tpu.vector_store %arg6[%swap3A_621, %swap3A_622], %swap3A_625 {strides = array<i32>} : memref<64x128xf32, #tpu.memory_space<vmem>>, vector<1x16xf32>,
      %swap3A_626 = arith.index_cast %scan3A_595 : i32 to index
      %swap3A_627 = arith.constant 96 : index
      %swap3A_628 = tpu.vector_load %arg6[%swap3A_626, %swap3A_627] {strides = array<i32>} : memref<64x128xf32, #tpu.memory_space<vmem>>, vector<1x16xf32>,
      %swap3A_629 = vector.shape_cast %swap3A_628 : vector<1x16xf32> to vector<16xf32>
      %swap3A_630 = vector.shape_cast %broadcast_in_dim3A_1 : vector<16xf32> to vector<1x16xf32>
      tpu.vector_store %arg6[%swap3A_626, %swap3A_627], %swap3A_630 {strides = array<i32>} : memref<64x128xf32, #tpu.memory_space<vmem>>, vector<1x16xf32>,
      %swap3A_631 = arith.index_cast %scan3A_595 : i32 to index
      %swap3A_632 = arith.constant 112 : index
      %swap3A_633 = tpu.vector_load %arg6[%swap3A_631, %swap3A_632] {strides = array<i32>} : memref<64x128xf32, #tpu.memory_space<vmem>>, vector<1x16xf32>,
      %swap3A_634 = vector.shape_cast %swap3A_633 : vector<1x16xf32> to vector<16xf32>
      %swap3A_635 = vector.shape_cast %broadcast_in_dim3A_1 : vector<16xf32> to vector<1x16xf32>
      tpu.vector_store %arg6[%swap3A_631, %swap3A_632], %swap3A_635 {strides = array<i32>} : memref<64x128xf32, #tpu.memory_space<vmem>>, vector<1x16xf32>,
      %swap3A_636 = arith.index_cast %scan3A_595 : i32 to index
      %swap3A_637 = arith.constant 0 : index
      %swap3A_638 = tpu.vector_load %arg15[%swap3A_636, %swap3A_637] {strides = array<i32>} : memref<64x16xf32, #tpu.memory_space<vmem>>, vector<1x16xf32>,
      %swap3A_639 = vector.shape_cast %swap3A_638 : vector<1x16xf32> to vector<16xf32>
      %swap3A_640 = vector.shape_cast %broadcast_in_dim3A_1 : vector<16xf32> to vector<1x16xf32>
      tpu.vector_store %arg15[%swap3A_636, %swap3A_637], %swap3A_640 {strides = array<i32>} : memref<64x16xf32, #tpu.memory_space<vmem>>, vector<1x16xf32>,
      %swap3A_641 = arith.index_cast %scan3A_595 : i32 to index
      %swap3A_642 = arith.constant 0 : index
      %swap3A_643 = tpu.vector_load %arg14[%swap3A_641, %swap3A_642] {strides = array<i32>} : memref<64x16xf32, #tpu.memory_space<vmem>>, vector<1x16xf32>,
      %swap3A_644 = vector.shape_cast %swap3A_643 : vector<1x16xf32> to vector<16xf32>
      %swap3A_645 = vector.shape_cast %broadcast_in_dim3A_3 : vector<16xf32> to vector<1x16xf32>
      tpu.vector_store %arg14[%swap3A_641, %swap3A_642], %swap3A_645 {strides = array<i32>} : memref<64x16xf32, #tpu.memory_space<vmem>>, vector<1x16xf32>,
      %scan3A_646 = arith.constant 0 : i32
      scf.yield %scan3A_646 : i32
    }
    %scan3A_9 = arith.constant 64 : i32
    %mul3A_10 = arith.constant 156 : i32
    %mul3A_11 = arith.muli %add3A, %mul3A_10 : i32
    %add3A_12 = arith.constant 1 : i32
    %add3A_13 = arith.addi %mul3A_11, %add3A_12 : i32
    %mul3A_14 = arith.constant 64 : i32
    %mul3A_15 = arith.muli %add3A_13, %mul3A_14 : i32
    %dma_start3A = arith.constant 0 : i32
    %dma_start3A_16 = arith.constant 0 : i32
    %dma_start3A_17 = tpu.memref_slice %arg7[%dma_start3A, %dma_start3A_16] : memref<64x128xf32, #tpu.memory_space<vmem>> -> memref<32x128xf32, #tpu.memory_space<vmem>>
    %dma_start3A_18 = arith.constant 0 : i32
    %dma_start3A_19 = tpu.memref_slice %arg2[%mul3A_15, %dma_start3A_18] : memref<320000x128xf32, #tpu.memory_space<hbm>> -> memref<32x128xf32, #tpu.memory_space<hbm>>
    %dma_start3A_20 = arith.constant 0 : i32
    %dma_start3A_21 = arith.constant 0 : i32
    %dma_start3A_22 = tpu.memref_slice %arg7[%dma_start3A_20, %dma_start3A_21] : memref<64x128xf32, #tpu.memory_space<vmem>> -> memref<32x128xf32, #tpu.memory_space<vmem>>
    %dma_start3A_23 = arith.constant 0 : i32
    %dma_start3A_24 = tpu.memref_slice %arg2[%mul3A_15, %dma_start3A_23] : memref<320000x128xf32, #tpu.memory_space<hbm>> -> memref<32x128xf32, #tpu.memory_space<hbm>>
    tpu.enqueue_dma source(%dma_start3A_24 : memref<32x128xf32, #tpu.memory_space<hbm>>) target(%dma_start3A_22 : memref<32x128xf32, #tpu.memory_space<vmem>>) target_semaphore(%arg19 : memref<!tpu.dma_semaphore, #tpu.memory_space<semaphore_mem>>)
    %mul3A_25 = arith.constant 64 : i32
    %mul3A_26 = arith.muli %add3A_13, %mul3A_25 : i32
    %add3A_27 = arith.constant 32 : i32
    %add3A_28 = arith.addi %mul3A_26, %add3A_27 : i32
    %dma_start3A_29 = arith.constant 32 : i32
    %dma_start3A_30 = arith.constant 0 : i32
    %dma_start3A_31 = tpu.memref_slice %arg7[%dma_start3A_29, %dma_start3A_30] : memref<64x128xf32, #tpu.memory_space<vmem>> -> memref<32x128xf32, #tpu.memory_space<vmem>>
    %dma_start3A_32 = arith.constant 0 : i32
    %dma_start3A_33 = tpu.memref_slice %arg2[%add3A_28, %dma_start3A_32] : memref<320000x128xf32, #tpu.memory_space<hbm>> -> memref<32x128xf32, #tpu.memory_space<hbm>>
    %dma_start3A_34 = arith.constant 32 : i32
    %dma_start3A_35 = arith.constant 0 : i32
    %dma_start3A_36 = tpu.memref_slice %arg7[%dma_start3A_34, %dma_start3A_35] : memref<64x128xf32, #tpu.memory_space<vmem>> -> memref<32x128xf32, #tpu.memory_space<vmem>>
    %dma_start3A_37 = arith.constant 0 : i32
    %dma_start3A_38 = tpu.memref_slice %arg2[%add3A_28, %dma_start3A_37] : memref<320000x128xf32, #tpu.memory_space<hbm>> -> memref<32x128xf32, #tpu.memory_space<hbm>>
    tpu.enqueue_dma source(%dma_start3A_38 : memref<32x128xf32, #tpu.memory_space<hbm>>) target(%dma_start3A_36 : memref<32x128xf32, #tpu.memory_space<vmem>>) target_semaphore(%arg19 : memref<!tpu.dma_semaphore, #tpu.memory_space<semaphore_mem>>)
    %mul3A_39 = arith.constant 64 : i32
    %mul3A_40 = arith.muli %add3A_13, %mul3A_39 : i32
    %dma_start3A_41 = arith.constant 1 : i32
    %dma_start3A_42 = tpu.memref_slice %arg3[%dma_start3A_41, %mul3A_40] : memref<2x320000xi32, #tpu.memory_space<hbm>> -> memref<1x64xi32, #tpu.memory_space<hbm>>
    %dma_start3A_43 = tpu.memref_squeeze %dma_start3A_42 : memref<1x64xi32, #tpu.memory_space<hbm>> -> memref<64xi32, #tpu.memory_space<hbm>>
    %dma_start3A_44 = tpu.memref_slice %arg3[%dma_start3A_41, %mul3A_40] : memref<2x320000xi32, #tpu.memory_space<hbm>> -> memref<1x64xi32, #tpu.memory_space<hbm>>
    %dma_start3A_45 = tpu.memref_squeeze %dma_start3A_44 : memref<1x64xi32, #tpu.memory_space<hbm>> -> memref<64xi32, #tpu.memory_space<hbm>>
    tpu.enqueue_dma source(%dma_start3A_45 : memref<64xi32, #tpu.memory_space<hbm>>) target(%arg11 : memref<64xi32, #tpu.memory_space<vmem>>) target_semaphore(%arg23 : memref<!tpu.dma_semaphore, #tpu.memory_space<semaphore_mem>>)
    %add3A_46 = arith.constant 2 : i32
    %add3A_47 = arith.addi %mul3A_11, %add3A_46 : i32
    %mul3A_48 = arith.constant 64 : i32
    %mul3A_49 = arith.muli %add3A_47, %mul3A_48 : i32
    %dma_start3A_50 = arith.constant 0 : i32
    %dma_start3A_51 = arith.constant 0 : i32
    %dma_start3A_52 = tpu.memref_slice %arg8[%dma_start3A_50, %dma_start3A_51] : memref<64x128xf32, #tpu.memory_space<vmem>> -> memref<32x128xf32, #tpu.memory_space<vmem>>
    %dma_start3A_53 = arith.constant 0 : i32
    %dma_start3A_54 = tpu.memref_slice %arg2[%mul3A_49, %dma_start3A_53] : memref<320000x128xf32, #tpu.memory_space<hbm>> -> memref<32x128xf32, #tpu.memory_space<hbm>>
    %dma_start3A_55 = arith.constant 0 : i32
    %dma_start3A_56 = arith.constant 0 : i32
    %dma_start3A_57 = tpu.memref_slice %arg8[%dma_start3A_55, %dma_start3A_56] : memref<64x128xf32, #tpu.memory_space<vmem>> -> memref<32x128xf32, #tpu.memory_space<vmem>>
    %dma_start3A_58 = arith.constant 0 : i32
    %dma_start3A_59 = tpu.memref_slice %arg2[%mul3A_49, %dma_start3A_58] : memref<320000x128xf32, #tpu.memory_space<hbm>> -> memref<32x128xf32, #tpu.memory_space<hbm>>
    tpu.enqueue_dma source(%dma_start3A_59 : memref<32x128xf32, #tpu.memory_space<hbm>>) target(%dma_start3A_57 : memref<32x128xf32, #tpu.memory_space<vmem>>) target_semaphore(%arg20 : memref<!tpu.dma_semaphore, #tpu.memory_space<semaphore_mem>>)
    %mul3A_60 = arith.constant 64 : i32
    %mul3A_61 = arith.muli %add3A_47, %mul3A_60 : i32
    %add3A_62 = arith.constant 32 : i32
    %add3A_63 = arith.addi %mul3A_61, %add3A_62 : i32
    %dma_start3A_64 = arith.constant 32 : i32
    %dma_start3A_65 = arith.constant 0 : i32
    %dma_start3A_66 = tpu.memref_slice %arg8[%dma_start3A_64, %dma_start3A_65] : memref<64x128xf32, #tpu.memory_space<vmem>> -> memref<32x128xf32, #tpu.memory_space<vmem>>
    %dma_start3A_67 = arith.constant 0 : i32
    %dma_start3A_68 = tpu.memref_slice %arg2[%add3A_63, %dma_start3A_67] : memref<320000x128xf32, #tpu.memory_space<hbm>> -> memref<32x128xf32, #tpu.memory_space<hbm>>
    %dma_start3A_69 = arith.constant 32 : i32
    %dma_start3A_70 = arith.constant 0 : i32
    %dma_start3A_71 = tpu.memref_slice %arg8[%dma_start3A_69, %dma_start3A_70] : memref<64x128xf32, #tpu.memory_space<vmem>> -> memref<32x128xf32, #tpu.memory_space<vmem>>
    %dma_start3A_72 = arith.constant 0 : i32
    %dma_start3A_73 = tpu.memref_slice %arg2[%add3A_63, %dma_start3A_72] : memref<320000x128xf32, #tpu.memory_space<hbm>> -> memref<32x128xf32, #tpu.memory_space<hbm>>
    tpu.enqueue_dma source(%dma_start3A_73 : memref<32x128xf32, #tpu.memory_space<hbm>>) target(%dma_start3A_71 : memref<32x128xf32, #tpu.memory_space<vmem>>) target_semaphore(%arg20 : memref<!tpu.dma_semaphore, #tpu.memory_space<semaphore_mem>>)
    %mul3A_74 = arith.constant 64 : i32
    %mul3A_75 = arith.muli %add3A_47, %mul3A_74 : i32
    %dma_start3A_76 = arith.constant 1 : i32
    %dma_start3A_77 = tpu.memref_slice %arg3[%dma_start3A_76, %mul3A_75] : memref<2x320000xi32, #tpu.memory_space<hbm>> -> memref<1x64xi32, #tpu.memory_space<hbm>>
    %dma_start3A_78 = tpu.memref_squeeze %dma_start3A_77 : memref<1x64xi32, #tpu.memory_space<hbm>> -> memref<64xi32, #tpu.memory_space<hbm>>
    %dma_start3A_79 = tpu.memref_slice %arg3[%dma_start3A_76, %mul3A_75] : memref<2x320000xi32, #tpu.memory_space<hbm>> -> memref<1x64xi32, #tpu.memory_space<hbm>>
    %dma_start3A_80 = tpu.memref_squeeze %dma_start3A_79 : memref<1x64xi32, #tpu.memory_space<hbm>> -> memref<64xi32, #tpu.memory_space<hbm>>
    tpu.enqueue_dma source(%dma_start3A_80 : memref<64xi32, #tpu.memory_space<hbm>>) target(%arg12 : memref<64xi32, #tpu.memory_space<vmem>>) target_semaphore(%arg24 : memref<!tpu.dma_semaphore, #tpu.memory_space<semaphore_mem>>)
    %add3A_81 = arith.constant 3 : i32
    %add3A_82 = arith.addi %mul3A_11, %add3A_81 : i32
    %mul3A_83 = arith.constant 64 : i32
    %mul3A_84 = arith.muli %add3A_82, %mul3A_83 : i32
    %dma_start3A_85 = arith.constant 0 : i32
    %dma_start3A_86 = arith.constant 0 : i32
    %dma_start3A_87 = tpu.memref_slice %arg9[%dma_start3A_85, %dma_start3A_86] : memref<64x128xf32, #tpu.memory_space<vmem>> -> memref<32x128xf32, #tpu.memory_space<vmem>>
    %dma_start3A_88 = arith.constant 0 : i32
    %dma_start3A_89 = tpu.memref_slice %arg2[%mul3A_84, %dma_start3A_88] : memref<320000x128xf32, #tpu.memory_space<hbm>> -> memref<32x128xf32, #tpu.memory_space<hbm>>
    %dma_start3A_90 = arith.constant 0 : i32
    %dma_start3A_91 = arith.constant 0 : i32
    %dma_start3A_92 = tpu.memref_slice %arg9[%dma_start3A_90, %dma_start3A_91] : memref<64x128xf32, #tpu.memory_space<vmem>> -> memref<32x128xf32, #tpu.memory_space<vmem>>
    %dma_start3A_93 = arith.constant 0 : i32
    %dma_start3A_94 = tpu.memref_slice %arg2[%mul3A_84, %dma_start3A_93] : memref<320000x128xf32, #tpu.memory_space<hbm>> -> memref<32x128xf32, #tpu.memory_space<hbm>>
    tpu.enqueue_dma source(%dma_start3A_94 : memref<32x128xf32, #tpu.memory_space<hbm>>) target(%dma_start3A_92 : memref<32x128xf32, #tpu.memory_space<vmem>>) target_semaphore(%arg21 : memref<!tpu.dma_semaphore, #tpu.memory_space<semaphore_mem>>)
    %mul3A_95 = arith.constant 64 : i32
    %mul3A_96 = arith.muli %add3A_82, %mul3A_95 : i32
    %add3A_97 = arith.constant 32 : i32
    %add3A_98 = arith.addi %mul3A_96, %add3A_97 : i32
    %dma_start3A_99 = arith.constant 32 : i32
    %dma_start3A_100 = arith.constant 0 : i32
    %dma_start3A_101 = tpu.memref_slice %arg9[%dma_start3A_99, %dma_start3A_100] : memref<64x128xf32, #tpu.memory_space<vmem>> -> memref<32x128xf32, #tpu.memory_space<vmem>>
    %dma_start3A_102 = arith.constant 0 : i32
    %dma_start3A_103 = tpu.memref_slice %arg2[%add3A_98, %dma_start3A_102] : memref<320000x128xf32, #tpu.memory_space<hbm>> -> memref<32x128xf32, #tpu.memory_space<hbm>>
    %dma_start3A_104 = arith.constant 32 : i32
    %dma_start3A_105 = arith.constant 0 : i32
    %dma_start3A_106 = tpu.memref_slice %arg9[%dma_start3A_104, %dma_start3A_105] : memref<64x128xf32, #tpu.memory_space<vmem>> -> memref<32x128xf32, #tpu.memory_space<vmem>>
    %dma_start3A_107 = arith.constant 0 : i32
    %dma_start3A_108 = tpu.memref_slice %arg2[%add3A_98, %dma_start3A_107] : memref<320000x128xf32, #tpu.memory_space<hbm>> -> memref<32x128xf32, #tpu.memory_space<hbm>>
    tpu.enqueue_dma source(%dma_start3A_108 : memref<32x128xf32, #tpu.memory_space<hbm>>) target(%dma_start3A_106 : memref<32x128xf32, #tpu.memory_space<vmem>>) target_semaphore(%arg21 : memref<!tpu.dma_semaphore, #tpu.memory_space<semaphore_mem>>)
    %mul3A_109 = arith.constant 64 : i32
    %mul3A_110 = arith.muli %add3A_82, %mul3A_109 : i32
    %dma_start3A_111 = arith.constant 1 : i32
    %dma_start3A_112 = tpu.memref_slice %arg3[%dma_start3A_111, %mul3A_110] : memref<2x320000xi32, #tpu.memory_space<hbm>> -> memref<1x64xi32, #tpu.memory_space<hbm>>
    %dma_start3A_113 = tpu.memref_squeeze %dma_start3A_112 : memref<1x64xi32, #tpu.memory_space<hbm>> -> memref<64xi32, #tpu.memory_space<hbm>>
    %dma_start3A_114 = tpu.memref_slice %arg3[%dma_start3A_111, %mul3A_110] : memref<2x320000xi32, #tpu.memory_space<hbm>> -> memref<1x64xi32, #tpu.memory_space<hbm>>
    %dma_start3A_115 = tpu.memref_squeeze %dma_start3A_114 : memref<1x64xi32, #tpu.memory_space<hbm>> -> memref<64xi32, #tpu.memory_space<hbm>>
    tpu.enqueue_dma source(%dma_start3A_115 : memref<64xi32, #tpu.memory_space<hbm>>) target(%arg13 : memref<64xi32, #tpu.memory_space<vmem>>) target_semaphore(%arg25 : memref<!tpu.dma_semaphore, #tpu.memory_space<semaphore_mem>>)
    %mul3A_116 = arith.constant 624 : i32
    %mul3A_117 = arith.muli %arg1, %mul3A_116 : i32
    %add3A_118 = arith.constant 0 : i32
    %add3A_119 = arith.addi %mul3A_117, %add3A_118 : i32
    %dma_start3A_120 = arith.constant 0 : i32
    %dma_start3A_121 = tpu.memref_slice %arg16[%add3A_119, %dma_start3A_120] : memref<10000x128xf32, #tpu.memory_space<vmem_shared>> -> memref<64x128xf32, #tpu.memory_space<vmem_shared>>
    %dma_start3A_122 = arith.constant 0 : i32
    %dma_start3A_123 = tpu.memref_slice %arg16[%add3A_119, %dma_start3A_122] : memref<10000x128xf32, #tpu.memory_space<vmem_shared>> -> memref<64x128xf32, #tpu.memory_space<vmem_shared>>
    tpu.enqueue_dma source(%arg6 : memref<64x128xf32, #tpu.memory_space<vmem>>) target(%dma_start3A_123 : memref<64x128xf32, #tpu.memory_space<vmem_shared>>) target_semaphore(%arg26 : memref<!tpu.dma_semaphore, #tpu.memory_space<semaphore_mem>>)
    %add3A_124 = arith.constant 0 : i32
    %add3A_125 = arith.addi %mul3A_117, %add3A_124 : i32
    %dma_start3A_126 = arith.constant 0 : i32
    %dma_start3A_127 = tpu.memref_slice %arg17[%add3A_125, %dma_start3A_126] : memref<10000x16xf32, #tpu.memory_space<vmem_shared>> -> memref<64x16xf32, #tpu.memory_space<vmem_shared>>
    %dma_start3A_128 = arith.constant 0 : i32
    %dma_start3A_129 = tpu.memref_slice %arg17[%add3A_125, %dma_start3A_128] : memref<10000x16xf32, #tpu.memory_space<vmem_shared>> -> memref<64x16xf32, #tpu.memory_space<vmem_shared>>
    tpu.enqueue_dma source(%arg15 : memref<64x16xf32, #tpu.memory_space<vmem>>) target(%dma_start3A_129 : memref<64x16xf32, #tpu.memory_space<vmem_shared>>) target_semaphore(%arg30 : memref<!tpu.dma_semaphore, #tpu.memory_space<semaphore_mem>>)
    %add3A_130 = arith.constant 64 : i32
    %add3A_131 = arith.addi %mul3A_117, %add3A_130 : i32
    %dma_start3A_132 = arith.constant 0 : i32
    %dma_start3A_133 = tpu.memref_slice %arg16[%add3A_131, %dma_start3A_132] : memref<10000x128xf32, #tpu.memory_space<vmem_shared>> -> memref<64x128xf32, #tpu.memory_space<vmem_shared>>
    %dma_start3A_134 = arith.constant 0 : i32
    %dma_start3A_135 = tpu.memref_slice %arg16[%add3A_131, %dma_start3A_134] : memref<10000x128xf32, #tpu.memory_space<vmem_shared>> -> memref<64x128xf32, #tpu.memory_space<vmem_shared>>
    tpu.enqueue_dma source(%arg6 : memref<64x128xf32, #tpu.memory_space<vmem>>) target(%dma_start3A_135 : memref<64x128xf32, #tpu.memory_space<vmem_shared>>) target_semaphore(%arg26 : memref<!tpu.dma_semaphore, #tpu.memory_space<semaphore_mem>>)
    %add3A_136 = arith.constant 64 : i32
    %add3A_137 = arith.addi %mul3A_117, %add3A_136 : i32
    %dma_start3A_138 = arith.constant 0 : i32
    %dma_start3A_139 = tpu.memref_slice %arg17[%add3A_137, %dma_start3A_138] : memref<10000x16xf32, #tpu.memory_space<vmem_shared>> -> memref<64x16xf32, #tpu.memory_space<vmem_shared>>
    %dma_start3A_140 = arith.constant 0 : i32
    %dma_start3A_141 = tpu.memref_slice %arg17[%add3A_137, %dma_start3A_140] : memref<10000x16xf32, #tpu.memory_space<vmem_shared>> -> memref<64x16xf32, #tpu.memory_space<vmem_shared>>
    tpu.enqueue_dma source(%arg15 : memref<64x16xf32, #tpu.memory_space<vmem>>) target(%dma_start3A_141 : memref<64x16xf32, #tpu.memory_space<vmem_shared>>) target_semaphore(%arg30 : memref<!tpu.dma_semaphore, #tpu.memory_space<semaphore_mem>>)
    %add3A_142 = arith.constant 128 : i32
    %add3A_143 = arith.addi %mul3A_117, %add3A_142 : i32
    %dma_start3A_144 = arith.constant 0 : i32
    %dma_start3A_145 = tpu.memref_slice %arg16[%add3A_143, %dma_start3A_144] : memref<10000x128xf32, #tpu.memory_space<vmem_shared>> -> memref<64x128xf32, #tpu.memory_space<vmem_shared>>
    %dma_start3A_146 = arith.constant 0 : i32
    %dma_start3A_147 = tpu.memref_slice %arg16[%add3A_143, %dma_start3A_146] : memref<10000x128xf32, #tpu.memory_space<vmem_shared>> -> memref<64x128xf32, #tpu.memory_space<vmem_shared>>
    tpu.enqueue_dma source(%arg6 : memref<64x128xf32, #tpu.memory_space<vmem>>) target(%dma_start3A_147 : memref<64x128xf32, #tpu.memory_space<vmem_shared>>) target_semaphore(%arg26 : memref<!tpu.dma_semaphore, #tpu.memory_space<semaphore_mem>>)
    %add3A_148 = arith.constant 128 : i32
    %add3A_149 = arith.addi %mul3A_117, %add3A_148 : i32
    %dma_start3A_150 = arith.constant 0 : i32
    %dma_start3A_151 = tpu.memref_slice %arg17[%add3A_149, %dma_start3A_150] : memref<10000x16xf32, #tpu.memory_space<vmem_shared>> -> memref<64x16xf32, #tpu.memory_space<vmem_shared>>
    %dma_start3A_152 = arith.constant 0 : i32
    %dma_start3A_153 = tpu.memref_slice %arg17[%add3A_149, %dma_start3A_152] : memref<10000x16xf32, #tpu.memory_space<vmem_shared>> -> memref<64x16xf32, #tpu.memory_space<vmem_shared>>
    tpu.enqueue_dma source(%arg15 : memref<64x16xf32, #tpu.memory_space<vmem>>) target(%dma_start3A_153 : memref<64x16xf32, #tpu.memory_space<vmem_shared>>) target_semaphore(%arg30 : memref<!tpu.dma_semaphore, #tpu.memory_space<semaphore_mem>>)
    %add3A_154 = arith.constant 192 : i32
    %add3A_155 = arith.addi %mul3A_117, %add3A_154 : i32
    %dma_start3A_156 = arith.constant 0 : i32
    %dma_start3A_157 = tpu.memref_slice %arg16[%add3A_155, %dma_start3A_156] : memref<10000x128xf32, #tpu.memory_space<vmem_shared>> -> memref<64x128xf32, #tpu.memory_space<vmem_shared>>
    %dma_start3A_158 = arith.constant 0 : i32
    %dma_start3A_159 = tpu.memref_slice %arg16[%add3A_155, %dma_start3A_158] : memref<10000x128xf32, #tpu.memory_space<vmem_shared>> -> memref<64x128xf32, #tpu.memory_space<vmem_shared>>
    tpu.enqueue_dma source(%arg6 : memref<64x128xf32, #tpu.memory_space<vmem>>) target(%dma_start3A_159 : memref<64x128xf32, #tpu.memory_space<vmem_shared>>) target_semaphore(%arg26 : memref<!tpu.dma_semaphore, #tpu.memory_space<semaphore_mem>>)
    %add3A_160 = arith.constant 192 : i32
    %add3A_161 = arith.addi %mul3A_117, %add3A_160 : i32
    %dma_start3A_162 = arith.constant 0 : i32
    %dma_start3A_163 = tpu.memref_slice %arg17[%add3A_161, %dma_start3A_162] : memref<10000x16xf32, #tpu.memory_space<vmem_shared>> -> memref<64x16xf32, #tpu.memory_space<vmem_shared>>
    %dma_start3A_164 = arith.constant 0 : i32
    %dma_start3A_165 = tpu.memref_slice %arg17[%add3A_161, %dma_start3A_164] : memref<10000x16xf32, #tpu.memory_space<vmem_shared>> -> memref<64x16xf32, #tpu.memory_space<vmem_shared>>
    tpu.enqueue_dma source(%arg15 : memref<64x16xf32, #tpu.memory_space<vmem>>) target(%dma_start3A_165 : memref<64x16xf32, #tpu.memory_space<vmem_shared>>) target_semaphore(%arg30 : memref<!tpu.dma_semaphore, #tpu.memory_space<semaphore_mem>>)
    %add3A_166 = arith.constant 256 : i32
    %add3A_167 = arith.addi %mul3A_117, %add3A_166 : i32
    %dma_start3A_168 = arith.constant 0 : i32
    %dma_start3A_169 = tpu.memref_slice %arg16[%add3A_167, %dma_start3A_168] : memref<10000x128xf32, #tpu.memory_space<vmem_shared>> -> memref<64x128xf32, #tpu.memory_space<vmem_shared>>
    %dma_start3A_170 = arith.constant 0 : i32
    %dma_start3A_171 = tpu.memref_slice %arg16[%add3A_167, %dma_start3A_170] : memref<10000x128xf32, #tpu.memory_space<vmem_shared>> -> memref<64x128xf32, #tpu.memory_space<vmem_shared>>
    tpu.enqueue_dma source(%arg6 : memref<64x128xf32, #tpu.memory_space<vmem>>) target(%dma_start3A_171 : memref<64x128xf32, #tpu.memory_space<vmem_shared>>) target_semaphore(%arg26 : memref<!tpu.dma_semaphore, #tpu.memory_space<semaphore_mem>>)
    %add3A_172 = arith.constant 256 : i32
    %add3A_173 = arith.addi %mul3A_117, %add3A_172 : i32
    %dma_start3A_174 = arith.constant 0 : i32
    %dma_start3A_175 = tpu.memref_slice %arg17[%add3A_173, %dma_start3A_174] : memref<10000x16xf32, #tpu.memory_space<vmem_shared>> -> memref<64x16xf32, #tpu.memory_space<vmem_shared>>
    %dma_start3A_176 = arith.constant 0 : i32
    %dma_start3A_177 = tpu.memref_slice %arg17[%add3A_173, %dma_start3A_176] : memref<10000x16xf32, #tpu.memory_space<vmem_shared>> -> memref<64x16xf32, #tpu.memory_space<vmem_shared>>
    tpu.enqueue_dma source(%arg15 : memref<64x16xf32, #tpu.memory_space<vmem>>) target(%dma_start3A_177 : memref<64x16xf32, #tpu.memory_space<vmem_shared>>) target_semaphore(%arg30 : memref<!tpu.dma_semaphore, #tpu.memory_space<semaphore_mem>>)
    %add3A_178 = arith.constant 320 : i32
    %add3A_179 = arith.addi %mul3A_117, %add3A_178 : i32
    %dma_start3A_180 = arith.constant 0 : i32
    %dma_start3A_181 = tpu.memref_slice %arg16[%add3A_179, %dma_start3A_180] : memref<10000x128xf32, #tpu.memory_space<vmem_shared>> -> memref<64x128xf32, #tpu.memory_space<vmem_shared>>
    %dma_start3A_182 = arith.constant 0 : i32
    %dma_start3A_183 = tpu.memref_slice %arg16[%add3A_179, %dma_start3A_182] : memref<10000x128xf32, #tpu.memory_space<vmem_shared>> -> memref<64x128xf32, #tpu.memory_space<vmem_shared>>
    tpu.enqueue_dma source(%arg6 : memref<64x128xf32, #tpu.memory_space<vmem>>) target(%dma_start3A_183 : memref<64x128xf32, #tpu.memory_space<vmem_shared>>) target_semaphore(%arg26 : memref<!tpu.dma_semaphore, #tpu.memory_space<semaphore_mem>>)
    %add3A_184 = arith.constant 320 : i32
    %add3A_185 = arith.addi %mul3A_117, %add3A_184 : i32
    %dma_start3A_186 = arith.constant 0 : i32
    %dma_start3A_187 = tpu.memref_slice %arg17[%add3A_185, %dma_start3A_186] : memref<10000x16xf32, #tpu.memory_space<vmem_shared>> -> memref<64x16xf32, #tpu.memory_space<vmem_shared>>
    %dma_start3A_188 = arith.constant 0 : i32
    %dma_start3A_189 = tpu.memref_slice %arg17[%add3A_185, %dma_start3A_188] : memref<10000x16xf32, #tpu.memory_space<vmem_shared>> -> memref<64x16xf32, #tpu.memory_space<vmem_shared>>
    tpu.enqueue_dma source(%arg15 : memref<64x16xf32, #tpu.memory_space<vmem>>) target(%dma_start3A_189 : memref<64x16xf32, #tpu.memory_space<vmem_shared>>) target_semaphore(%arg30 : memref<!tpu.dma_semaphore, #tpu.memory_space<semaphore_mem>>)
    %add3A_190 = arith.constant 384 : i32
    %add3A_191 = arith.addi %mul3A_117, %add3A_190 : i32
    %dma_start3A_192 = arith.constant 0 : i32
    %dma_start3A_193 = tpu.memref_slice %arg16[%add3A_191, %dma_start3A_192] : memref<10000x128xf32, #tpu.memory_space<vmem_shared>> -> memref<64x128xf32, #tpu.memory_space<vmem_shared>>
    %dma_start3A_194 = arith.constant 0 : i32
    %dma_start3A_195 = tpu.memref_slice %arg16[%add3A_191, %dma_start3A_194] : memref<10000x128xf32, #tpu.memory_space<vmem_shared>> -> memref<64x128xf32, #tpu.memory_space<vmem_shared>>
    tpu.enqueue_dma source(%arg6 : memref<64x128xf32, #tpu.memory_space<vmem>>) target(%dma_start3A_195 : memref<64x128xf32, #tpu.memory_space<vmem_shared>>) target_semaphore(%arg26 : memref<!tpu.dma_semaphore, #tpu.memory_space<semaphore_mem>>)
    %add3A_196 = arith.constant 384 : i32
    %add3A_197 = arith.addi %mul3A_117, %add3A_196 : i32
    %dma_start3A_198 = arith.constant 0 : i32
    %dma_start3A_199 = tpu.memref_slice %arg17[%add3A_197, %dma_start3A_198] : memref<10000x16xf32, #tpu.memory_space<vmem_shared>> -> memref<64x16xf32, #tpu.memory_space<vmem_shared>>
    %dma_start3A_200 = arith.constant 0 : i32
    %dma_start3A_201 = tpu.memref_slice %arg17[%add3A_197, %dma_start3A_200] : memref<10000x16xf32, #tpu.memory_space<vmem_shared>> -> memref<64x16xf32, #tpu.memory_space<vmem_shared>>
    tpu.enqueue_dma source(%arg15 : memref<64x16xf32, #tpu.memory_space<vmem>>) target(%dma_start3A_201 : memref<64x16xf32, #tpu.memory_space<vmem_shared>>) target_semaphore(%arg30 : memref<!tpu.dma_semaphore, #tpu.memory_space<semaphore_mem>>)
    %add3A_202 = arith.constant 448 : i32
    %add3A_203 = arith.addi %mul3A_117, %add3A_202 : i32
    %dma_start3A_204 = arith.constant 0 : i32
    %dma_start3A_205 = tpu.memref_slice %arg16[%add3A_203, %dma_start3A_204] : memref<10000x128xf32, #tpu.memory_space<vmem_shared>> -> memref<64x128xf32, #tpu.memory_space<vmem_shared>>
    %dma_start3A_206 = arith.constant 0 : i32
    %dma_start3A_207 = tpu.memref_slice %arg16[%add3A_203, %dma_start3A_206] : memref<10000x128xf32, #tpu.memory_space<vmem_shared>> -> memref<64x128xf32, #tpu.memory_space<vmem_shared>>
    tpu.enqueue_dma source(%arg6 : memref<64x128xf32, #tpu.memory_space<vmem>>) target(%dma_start3A_207 : memref<64x128xf32, #tpu.memory_space<vmem_shared>>) target_semaphore(%arg26 : memref<!tpu.dma_semaphore, #tpu.memory_space<semaphore_mem>>)
    %add3A_208 = arith.constant 448 : i32
    %add3A_209 = arith.addi %mul3A_117, %add3A_208 : i32
    %dma_start3A_210 = arith.constant 0 : i32
    %dma_start3A_211 = tpu.memref_slice %arg17[%add3A_209, %dma_start3A_210] : memref<10000x16xf32, #tpu.memory_space<vmem_shared>> -> memref<64x16xf32, #tpu.memory_space<vmem_shared>>
    %dma_start3A_212 = arith.constant 0 : i32
    %dma_start3A_213 = tpu.memref_slice %arg17[%add3A_209, %dma_start3A_212] : memref<10000x16xf32, #tpu.memory_space<vmem_shared>> -> memref<64x16xf32, #tpu.memory_space<vmem_shared>>
    tpu.enqueue_dma source(%arg15 : memref<64x16xf32, #tpu.memory_space<vmem>>) target(%dma_start3A_213 : memref<64x16xf32, #tpu.memory_space<vmem_shared>>) target_semaphore(%arg30 : memref<!tpu.dma_semaphore, #tpu.memory_space<semaphore_mem>>)
    %add3A_214 = arith.constant 512 : i32
    %add3A_215 = arith.addi %mul3A_117, %add3A_214 : i32
    %dma_start3A_216 = arith.constant 0 : i32
    %dma_start3A_217 = tpu.memref_slice %arg16[%add3A_215, %dma_start3A_216] : memref<10000x128xf32, #tpu.memory_space<vmem_shared>> -> memref<64x128xf32, #tpu.memory_space<vmem_shared>>
    %dma_start3A_218 = arith.constant 0 : i32
    %dma_start3A_219 = tpu.memref_slice %arg16[%add3A_215, %dma_start3A_218] : memref<10000x128xf32, #tpu.memory_space<vmem_shared>> -> memref<64x128xf32, #tpu.memory_space<vmem_shared>>
    tpu.enqueue_dma source(%arg6 : memref<64x128xf32, #tpu.memory_space<vmem>>) target(%dma_start3A_219 : memref<64x128xf32, #tpu.memory_space<vmem_shared>>) target_semaphore(%arg26 : memref<!tpu.dma_semaphore, #tpu.memory_space<semaphore_mem>>)
    %add3A_220 = arith.constant 512 : i32
    %add3A_221 = arith.addi %mul3A_117, %add3A_220 : i32
    %dma_start3A_222 = arith.constant 0 : i32
    %dma_start3A_223 = tpu.memref_slice %arg17[%add3A_221, %dma_start3A_222] : memref<10000x16xf32, #tpu.memory_space<vmem_shared>> -> memref<64x16xf32, #tpu.memory_space<vmem_shared>>
    %dma_start3A_224 = arith.constant 0 : i32
    %dma_start3A_225 = tpu.memref_slice %arg17[%add3A_221, %dma_start3A_224] : memref<10000x16xf32, #tpu.memory_space<vmem_shared>> -> memref<64x16xf32, #tpu.memory_space<vmem_shared>>
    tpu.enqueue_dma source(%arg15 : memref<64x16xf32, #tpu.memory_space<vmem>>) target(%dma_start3A_225 : memref<64x16xf32, #tpu.memory_space<vmem_shared>>) target_semaphore(%arg30 : memref<!tpu.dma_semaphore, #tpu.memory_space<semaphore_mem>>)
    %add3A_226 = arith.constant 576 : i32
    %add3A_227 = arith.addi %mul3A_117, %add3A_226 : i32
    %dma_start3A_228 = arith.constant 0 : i32
    %dma_start3A_229 = arith.constant 0 : i32
    %dma_start3A_230 = tpu.memref_slice %arg6[%dma_start3A_228, %dma_start3A_229] : memref<64x128xf32, #tpu.memory_space<vmem>> -> memref<48x128xf32, #tpu.memory_space<vmem>>
    %dma_start3A_231 = arith.constant 0 : i32
    %dma_start3A_232 = tpu.memref_slice %arg16[%add3A_227, %dma_start3A_231] : memref<10000x128xf32, #tpu.memory_space<vmem_shared>> -> memref<48x128xf32, #tpu.memory_space<vmem_shared>>
    %dma_start3A_233 = arith.constant 0 : i32
    %dma_start3A_234 = tpu.memref_slice %arg16[%add3A_227, %dma_start3A_233] : memref<10000x128xf32, #tpu.memory_space<vmem_shared>> -> memref<48x128xf32, #tpu.memory_space<vmem_shared>>
    %dma_start3A_235 = arith.constant 0 : i32
    %dma_start3A_236 = arith.constant 0 : i32
    %dma_start3A_237 = tpu.memref_slice %arg6[%dma_start3A_235, %dma_start3A_236] : memref<64x128xf32, #tpu.memory_space<vmem>> -> memref<48x128xf32, #tpu.memory_space<vmem>>
    tpu.enqueue_dma source(%dma_start3A_237 : memref<48x128xf32, #tpu.memory_space<vmem>>) target(%dma_start3A_234 : memref<48x128xf32, #tpu.memory_space<vmem_shared>>) target_semaphore(%arg26 : memref<!tpu.dma_semaphore, #tpu.memory_space<semaphore_mem>>)
    %add3A_238 = arith.constant 576 : i32
    %add3A_239 = arith.addi %mul3A_117, %add3A_238 : i32
    %dma_start3A_240 = arith.constant 0 : i32
    %dma_start3A_241 = arith.constant 0 : i32
    %dma_start3A_242 = tpu.memref_slice %arg15[%dma_start3A_240, %dma_start3A_241] : memref<64x16xf32, #tpu.memory_space<vmem>> -> memref<48x16xf32, #tpu.memory_space<vmem>>
    %dma_start3A_243 = arith.constant 0 : i32
    %dma_start3A_244 = tpu.memref_slice %arg17[%add3A_239, %dma_start3A_243] : memref<10000x16xf32, #tpu.memory_space<vmem_shared>> -> memref<48x16xf32, #tpu.memory_space<vmem_shared>>
    %dma_start3A_245 = arith.constant 0 : i32
    %dma_start3A_246 = tpu.memref_slice %arg17[%add3A_239, %dma_start3A_245] : memref<10000x16xf32, #tpu.memory_space<vmem_shared>> -> memref<48x16xf32, #tpu.memory_space<vmem_shared>>
    %dma_start3A_247 = arith.constant 0 : i32
    %dma_start3A_248 = arith.constant 0 : i32
    %dma_start3A_249 = tpu.memref_slice %arg15[%dma_start3A_247, %dma_start3A_248] : memref<64x16xf32, #tpu.memory_space<vmem>> -> memref<48x16xf32, #tpu.memory_space<vmem>>
    tpu.enqueue_dma source(%dma_start3A_249 : memref<48x16xf32, #tpu.memory_space<vmem>>) target(%dma_start3A_246 : memref<48x16xf32, #tpu.memory_space<vmem_shared>>) target_semaphore(%arg30 : memref<!tpu.dma_semaphore, #tpu.memory_space<semaphore_mem>>)
    %eq3A = arith.constant 15 : i32
    %eq3A_250 = arith.cmpi eq, %arg1, %eq3A : i32
    %convert_element_type3A = arith.extui %eq3A_250 : i1 to i32
    %cond3A = arith.constant 0 : i32
    %cond3A_251 = arith.cmpi ne, %convert_element_type3A, %cond3A : i32
    scf.if %cond3A_251 {
      %dma_start3A_595 = arith.constant 0 : i32
      %dma_start3A_596 = arith.constant 0 : i32
      %dma_start3A_597 = tpu.memref_slice %arg6[%dma_start3A_595, %dma_start3A_596] : memref<64x128xf32, #tpu.memory_space<vmem>> -> memref<16x128xf32, #tpu.memory_space<vmem>>
      %dma_start3A_598 = arith.constant 9984 : i32
      %dma_start3A_599 = arith.constant 0 : i32
      %dma_start3A_600 = tpu.memref_slice %arg16[%dma_start3A_598, %dma_start3A_599] : memref<10000x128xf32, #tpu.memory_space<vmem_shared>> -> memref<16x128xf32, #tpu.memory_space<vmem_shared>>
      %dma_start3A_601 = arith.constant 9984 : i32
      %dma_start3A_602 = arith.constant 0 : i32
      %dma_start3A_603 = tpu.memref_slice %arg16[%dma_start3A_601, %dma_start3A_602] : memref<10000x128xf32, #tpu.memory_space<vmem_shared>> -> memref<16x128xf32, #tpu.memory_space<vmem_shared>>
      %dma_start3A_604 = arith.constant 0 : i32
      %dma_start3A_605 = arith.constant 0 : i32
      %dma_start3A_606 = tpu.memref_slice %arg6[%dma_start3A_604, %dma_start3A_605] : memref<64x128xf32, #tpu.memory_space<vmem>> -> memref<16x128xf32, #tpu.memory_space<vmem>>
      tpu.enqueue_dma source(%dma_start3A_606 : memref<16x128xf32, #tpu.memory_space<vmem>>) target(%dma_start3A_603 : memref<16x128xf32, #tpu.memory_space<vmem_shared>>) target_semaphore(%arg26 : memref<!tpu.dma_semaphore, #tpu.memory_space<semaphore_mem>>)
      %dma_start3A_607 = arith.constant 0 : i32
      %dma_start3A_608 = arith.constant 0 : i32
      %dma_start3A_609 = tpu.memref_slice %arg15[%dma_start3A_607, %dma_start3A_608] : memref<64x16xf32, #tpu.memory_space<vmem>> -> memref<16x16xf32, #tpu.memory_space<vmem>>
      %dma_start3A_610 = arith.constant 9984 : i32
      %dma_start3A_611 = arith.constant 0 : i32
      %dma_start3A_612 = tpu.memref_slice %arg17[%dma_start3A_610, %dma_start3A_611] : memref<10000x16xf32, #tpu.memory_space<vmem_shared>> -> memref<16x16xf32, #tpu.memory_space<vmem_shared>>
      %dma_start3A_613 = arith.constant 9984 : i32
      %dma_start3A_614 = arith.constant 0 : i32
      %dma_start3A_615 = tpu.memref_slice %arg17[%dma_start3A_613, %dma_start3A_614] : memref<10000x16xf32, #tpu.memory_space<vmem_shared>> -> memref<16x16xf32, #tpu.memory_space<vmem_shared>>
      %dma_start3A_616 = arith.constant 0 : i32
      %dma_start3A_617 = arith.constant 0 : i32
      %dma_start3A_618 = tpu.memref_slice %arg15[%dma_start3A_616, %dma_start3A_617] : memref<64x16xf32, #tpu.memory_space<vmem>> -> memref<16x16xf32, #tpu.memory_space<vmem>>
      tpu.enqueue_dma source(%dma_start3A_618 : memref<16x16xf32, #tpu.memory_space<vmem>>) target(%dma_start3A_615 : memref<16x16xf32, #tpu.memory_space<vmem_shared>>) target_semaphore(%arg30 : memref<!tpu.dma_semaphore, #tpu.memory_space<semaphore_mem>>)
    } else {
    }
    %dma_wait3A = arith.constant 0 : i32
    %dma_wait3A_252 = tpu.memref_slice %arg16[%mul3A_117, %dma_wait3A] : memref<10000x128xf32, #tpu.memory_space<vmem_shared>> -> memref<64x128xf32, #tpu.memory_space<vmem_shared>>
    %dma_wait3A_253 = arith.constant 0 : i32
    %dma_wait3A_254 = tpu.memref_slice %arg16[%mul3A_117, %dma_wait3A_253] : memref<10000x128xf32, #tpu.memory_space<vmem_shared>> -> memref<64x128xf32, #tpu.memory_space<vmem_shared>>
    tpu.wait_dma2 semaphore(%arg26 : memref<!tpu.dma_semaphore, #tpu.memory_space<semaphore_mem>>) src(%arg6 : memref<64x128xf32, #tpu.memory_space<vmem>>) dst(%dma_wait3A_254 : memref<64x128xf32, #tpu.memory_space<vmem_shared>>)
    %dma_wait3A_255 = arith.constant 0 : i32
    %dma_wait3A_256 = tpu.memref_slice %arg17[%mul3A_117, %dma_wait3A_255] : memref<10000x16xf32, #tpu.memory_space<vmem_shared>> -> memref<64x16xf32, #tpu.memory_space<vmem_shared>>
    %dma_wait3A_257 = arith.constant 0 : i32
    %dma_wait3A_258 = tpu.memref_slice %arg17[%mul3A_117, %dma_wait3A_257] : memref<10000x16xf32, #tpu.memory_space<vmem_shared>> -> memref<64x16xf32, #tpu.memory_space<vmem_shared>>
    tpu.wait_dma2 semaphore(%arg30 : memref<!tpu.dma_semaphore, #tpu.memory_space<semaphore_mem>>) src(%arg15 : memref<64x16xf32, #tpu.memory_space<vmem>>) dst(%dma_wait3A_258 : memref<64x16xf32, #tpu.memory_space<vmem_shared>>)
    %dma_wait3A_259 = arith.constant 0 : i32
    %dma_wait3A_260 = tpu.memref_slice %arg16[%mul3A_117, %dma_wait3A_259] : memref<10000x128xf32, #tpu.memory_space<vmem_shared>> -> memref<64x128xf32, #tpu.memory_space<vmem_shared>>
    %dma_wait3A_261 = arith.constant 0 : i32
    %dma_wait3A_262 = tpu.memref_slice %arg16[%mul3A_117, %dma_wait3A_261] : memref<10000x128xf32, #tpu.memory_space<vmem_shared>> -> memref<64x128xf32, #tpu.memory_space<vmem_shared>>
    tpu.wait_dma2 semaphore(%arg26 : memref<!tpu.dma_semaphore, #tpu.memory_space<semaphore_mem>>) src(%arg6 : memref<64x128xf32, #tpu.memory_space<vmem>>) dst(%dma_wait3A_262 : memref<64x128xf32, #tpu.memory_space<vmem_shared>>)
    %dma_wait3A_263 = arith.constant 0 : i32
    %dma_wait3A_264 = tpu.memref_slice %arg17[%mul3A_117, %dma_wait3A_263] : memref<10000x16xf32, #tpu.memory_space<vmem_shared>> -> memref<64x16xf32, #tpu.memory_space<vmem_shared>>
    %dma_wait3A_265 = arith.constant 0 : i32
    %dma_wait3A_266 = tpu.memref_slice %arg17[%mul3A_117, %dma_wait3A_265] : memref<10000x16xf32, #tpu.memory_space<vmem_shared>> -> memref<64x16xf32, #tpu.memory_space<vmem_shared>>
    tpu.wait_dma2 semaphore(%arg30 : memref<!tpu.dma_semaphore, #tpu.memory_space<semaphore_mem>>) src(%arg15 : memref<64x16xf32, #tpu.memory_space<vmem>>) dst(%dma_wait3A_266 : memref<64x16xf32, #tpu.memory_space<vmem_shared>>)
    %dma_wait3A_267 = arith.constant 0 : i32
    %dma_wait3A_268 = tpu.memref_slice %arg16[%mul3A_117, %dma_wait3A_267] : memref<10000x128xf32, #tpu.memory_space<vmem_shared>> -> memref<64x128xf32, #tpu.memory_space<vmem_shared>>
    %dma_wait3A_269 = arith.constant 0 : i32
    %dma_wait3A_270 = tpu.memref_slice %arg16[%mul3A_117, %dma_wait3A_269] : memref<10000x128xf32, #tpu.memory_space<vmem_shared>> -> memref<64x128xf32, #tpu.memory_space<vmem_shared>>
    tpu.wait_dma2 semaphore(%arg26 : memref<!tpu.dma_semaphore, #tpu.memory_space<semaphore_mem>>) src(%arg6 : memref<64x128xf32, #tpu.memory_space<vmem>>) dst(%dma_wait3A_270 : memref<64x128xf32, #tpu.memory_space<vmem_shared>>)
    %dma_wait3A_271 = arith.constant 0 : i32
    %dma_wait3A_272 = tpu.memref_slice %arg17[%mul3A_117, %dma_wait3A_271] : memref<10000x16xf32, #tpu.memory_space<vmem_shared>> -> memref<64x16xf32, #tpu.memory_space<vmem_shared>>
    %dma_wait3A_273 = arith.constant 0 : i32
    %dma_wait3A_274 = tpu.memref_slice %arg17[%mul3A_117, %dma_wait3A_273] : memref<10000x16xf32, #tpu.memory_space<vmem_shared>> -> memref<64x16xf32, #tpu.memory_space<vmem_shared>>
    tpu.wait_dma2 semaphore(%arg30 : memref<!tpu.dma_semaphore, #tpu.memory_space<semaphore_mem>>) src(%arg15 : memref<64x16xf32, #tpu.memory_space<vmem>>) dst(%dma_wait3A_274 : memref<64x16xf32, #tpu.memory_space<vmem_shared>>)
    %dma_wait3A_275 = arith.constant 0 : i32
    %dma_wait3A_276 = tpu.memref_slice %arg16[%mul3A_117, %dma_wait3A_275] : memref<10000x128xf32, #tpu.memory_space<vmem_shared>> -> memref<64x128xf32, #tpu.memory_space<vmem_shared>>
    %dma_wait3A_277 = arith.constant 0 : i32
    %dma_wait3A_278 = tpu.memref_slice %arg16[%mul3A_117, %dma_wait3A_277] : memref<10000x128xf32, #tpu.memory_space<vmem_shared>> -> memref<64x128xf32, #tpu.memory_space<vmem_shared>>
    tpu.wait_dma2 semaphore(%arg26 : memref<!tpu.dma_semaphore, #tpu.memory_space<semaphore_mem>>) src(%arg6 : memref<64x128xf32, #tpu.memory_space<vmem>>) dst(%dma_wait3A_278 : memref<64x128xf32, #tpu.memory_space<vmem_shared>>)
    %dma_wait3A_279 = arith.constant 0 : i32
    %dma_wait3A_280 = tpu.memref_slice %arg17[%mul3A_117, %dma_wait3A_279] : memref<10000x16xf32, #tpu.memory_space<vmem_shared>> -> memref<64x16xf32, #tpu.memory_space<vmem_shared>>
    %dma_wait3A_281 = arith.constant 0 : i32
    %dma_wait3A_282 = tpu.memref_slice %arg17[%mul3A_117, %dma_wait3A_281] : memref<10000x16xf32, #tpu.memory_space<vmem_shared>> -> memref<64x16xf32, #tpu.memory_space<vmem_shared>>
    tpu.wait_dma2 semaphore(%arg30 : memref<!tpu.dma_semaphore, #tpu.memory_space<semaphore_mem>>) src(%arg15 : memref<64x16xf32, #tpu.memory_space<vmem>>) dst(%dma_wait3A_282 : memref<64x16xf32, #tpu.memory_space<vmem_shared>>)
    %dma_wait3A_283 = arith.constant 0 : i32
    %dma_wait3A_284 = tpu.memref_slice %arg16[%mul3A_117, %dma_wait3A_283] : memref<10000x128xf32, #tpu.memory_space<vmem_shared>> -> memref<64x128xf32, #tpu.memory_space<vmem_shared>>
    %dma_wait3A_285 = arith.constant 0 : i32
    %dma_wait3A_286 = tpu.memref_slice %arg16[%mul3A_117, %dma_wait3A_285] : memref<10000x128xf32, #tpu.memory_space<vmem_shared>> -> memref<64x128xf32, #tpu.memory_space<vmem_shared>>
    tpu.wait_dma2 semaphore(%arg26 : memref<!tpu.dma_semaphore, #tpu.memory_space<semaphore_mem>>) src(%arg6 : memref<64x128xf32, #tpu.memory_space<vmem>>) dst(%dma_wait3A_286 : memref<64x128xf32, #tpu.memory_space<vmem_shared>>)
    %dma_wait3A_287 = arith.constant 0 : i32
    %dma_wait3A_288 = tpu.memref_slice %arg17[%mul3A_117, %dma_wait3A_287] : memref<10000x16xf32, #tpu.memory_space<vmem_shared>> -> memref<64x16xf32, #tpu.memory_space<vmem_shared>>
    %dma_wait3A_289 = arith.constant 0 : i32
    %dma_wait3A_290 = tpu.memref_slice %arg17[%mul3A_117, %dma_wait3A_289] : memref<10000x16xf32, #tpu.memory_space<vmem_shared>> -> memref<64x16xf32, #tpu.memory_space<vmem_shared>>
    tpu.wait_dma2 semaphore(%arg30 : memref<!tpu.dma_semaphore, #tpu.memory_space<semaphore_mem>>) src(%arg15 : memref<64x16xf32, #tpu.memory_space<vmem>>) dst(%dma_wait3A_290 : memref<64x16xf32, #tpu.memory_space<vmem_shared>>)
    %dma_wait3A_291 = arith.constant 0 : i32
    %dma_wait3A_292 = tpu.memref_slice %arg16[%mul3A_117, %dma_wait3A_291] : memref<10000x128xf32, #tpu.memory_space<vmem_shared>> -> memref<64x128xf32, #tpu.memory_space<vmem_shared>>
    %dma_wait3A_293 = arith.constant 0 : i32
    %dma_wait3A_294 = tpu.memref_slice %arg16[%mul3A_117, %dma_wait3A_293] : memref<10000x128xf32, #tpu.memory_space<vmem_shared>> -> memref<64x128xf32, #tpu.memory_space<vmem_shared>>
    tpu.wait_dma2 semaphore(%arg26 : memref<!tpu.dma_semaphore, #tpu.memory_space<semaphore_mem>>) src(%arg6 : memref<64x128xf32, #tpu.memory_space<vmem>>) dst(%dma_wait3A_294 : memref<64x128xf32, #tpu.memory_space<vmem_shared>>)
    %dma_wait3A_295 = arith.constant 0 : i32
    %dma_wait3A_296 = tpu.memref_slice %arg17[%mul3A_117, %dma_wait3A_295] : memref<10000x16xf32, #tpu.memory_space<vmem_shared>> -> memref<64x16xf32, #tpu.memory_space<vmem_shared>>
    %dma_wait3A_297 = arith.constant 0 : i32
    %dma_wait3A_298 = tpu.memref_slice %arg17[%mul3A_117, %dma_wait3A_297] : memref<10000x16xf32, #tpu.memory_space<vmem_shared>> -> memref<64x16xf32, #tpu.memory_space<vmem_shared>>
    tpu.wait_dma2 semaphore(%arg30 : memref<!tpu.dma_semaphore, #tpu.memory_space<semaphore_mem>>) src(%arg15 : memref<64x16xf32, #tpu.memory_space<vmem>>) dst(%dma_wait3A_298 : memref<64x16xf32, #tpu.memory_space<vmem_shared>>)
    %dma_wait3A_299 = arith.constant 0 : i32
    %dma_wait3A_300 = tpu.memref_slice %arg16[%mul3A_117, %dma_wait3A_299] : memref<10000x128xf32, #tpu.memory_space<vmem_shared>> -> memref<64x128xf32, #tpu.memory_space<vmem_shared>>
    %dma_wait3A_301 = arith.constant 0 : i32
    %dma_wait3A_302 = tpu.memref_slice %arg16[%mul3A_117, %dma_wait3A_301] : memref<10000x128xf32, #tpu.memory_space<vmem_shared>> -> memref<64x128xf32, #tpu.memory_space<vmem_shared>>
    tpu.wait_dma2 semaphore(%arg26 : memref<!tpu.dma_semaphore, #tpu.memory_space<semaphore_mem>>) src(%arg6 : memref<64x128xf32, #tpu.memory_space<vmem>>) dst(%dma_wait3A_302 : memref<64x128xf32, #tpu.memory_space<vmem_shared>>)
    %dma_wait3A_303 = arith.constant 0 : i32
    %dma_wait3A_304 = tpu.memref_slice %arg17[%mul3A_117, %dma_wait3A_303] : memref<10000x16xf32, #tpu.memory_space<vmem_shared>> -> memref<64x16xf32, #tpu.memory_space<vmem_shared>>
    %dma_wait3A_305 = arith.constant 0 : i32
    %dma_wait3A_306 = tpu.memref_slice %arg17[%mul3A_117, %dma_wait3A_305] : memref<10000x16xf32, #tpu.memory_space<vmem_shared>> -> memref<64x16xf32, #tpu.memory_space<vmem_shared>>
    tpu.wait_dma2 semaphore(%arg30 : memref<!tpu.dma_semaphore, #tpu.memory_space<semaphore_mem>>) src(%arg15 : memref<64x16xf32, #tpu.memory_space<vmem>>) dst(%dma_wait3A_306 : memref<64x16xf32, #tpu.memory_space<vmem_shared>>)
    %dma_wait3A_307 = arith.constant 0 : i32
    %dma_wait3A_308 = tpu.memref_slice %arg16[%mul3A_117, %dma_wait3A_307] : memref<10000x128xf32, #tpu.memory_space<vmem_shared>> -> memref<64x128xf32, #tpu.memory_space<vmem_shared>>
    %dma_wait3A_309 = arith.constant 0 : i32
    %dma_wait3A_310 = tpu.memref_slice %arg16[%mul3A_117, %dma_wait3A_309] : memref<10000x128xf32, #tpu.memory_space<vmem_shared>> -> memref<64x128xf32, #tpu.memory_space<vmem_shared>>
    tpu.wait_dma2 semaphore(%arg26 : memref<!tpu.dma_semaphore, #tpu.memory_space<semaphore_mem>>) src(%arg6 : memref<64x128xf32, #tpu.memory_space<vmem>>) dst(%dma_wait3A_310 : memref<64x128xf32, #tpu.memory_space<vmem_shared>>)
    %dma_wait3A_311 = arith.constant 0 : i32
    %dma_wait3A_312 = tpu.memref_slice %arg17[%mul3A_117, %dma_wait3A_311] : memref<10000x16xf32, #tpu.memory_space<vmem_shared>> -> memref<64x16xf32, #tpu.memory_space<vmem_shared>>
    %dma_wait3A_313 = arith.constant 0 : i32
    %dma_wait3A_314 = tpu.memref_slice %arg17[%mul3A_117, %dma_wait3A_313] : memref<10000x16xf32, #tpu.memory_space<vmem_shared>> -> memref<64x16xf32, #tpu.memory_space<vmem_shared>>
    tpu.wait_dma2 semaphore(%arg30 : memref<!tpu.dma_semaphore, #tpu.memory_space<semaphore_mem>>) src(%arg15 : memref<64x16xf32, #tpu.memory_space<vmem>>) dst(%dma_wait3A_314 : memref<64x16xf32, #tpu.memory_space<vmem_shared>>)
    %dma_wait3A_315 = arith.constant 0 : i32
    %dma_wait3A_316 = tpu.memref_slice %arg16[%mul3A_117, %dma_wait3A_315] : memref<10000x128xf32, #tpu.memory_space<vmem_shared>> -> memref<64x128xf32, #tpu.memory_space<vmem_shared>>
    %dma_wait3A_317 = arith.constant 0 : i32
    %dma_wait3A_318 = tpu.memref_slice %arg16[%mul3A_117, %dma_wait3A_317] : memref<10000x128xf32, #tpu.memory_space<vmem_shared>> -> memref<64x128xf32, #tpu.memory_space<vmem_shared>>
    tpu.wait_dma2 semaphore(%arg26 : memref<!tpu.dma_semaphore, #tpu.memory_space<semaphore_mem>>) src(%arg6 : memref<64x128xf32, #tpu.memory_space<vmem>>) dst(%dma_wait3A_318 : memref<64x128xf32, #tpu.memory_space<vmem_shared>>)
    %dma_wait3A_319 = arith.constant 0 : i32
    %dma_wait3A_320 = tpu.memref_slice %arg17[%mul3A_117, %dma_wait3A_319] : memref<10000x16xf32, #tpu.memory_space<vmem_shared>> -> memref<64x16xf32, #tpu.memory_space<vmem_shared>>
    %dma_wait3A_321 = arith.constant 0 : i32
    %dma_wait3A_322 = tpu.memref_slice %arg17[%mul3A_117, %dma_wait3A_321] : memref<10000x16xf32, #tpu.memory_space<vmem_shared>> -> memref<64x16xf32, #tpu.memory_space<vmem_shared>>
    tpu.wait_dma2 semaphore(%arg30 : memref<!tpu.dma_semaphore, #tpu.memory_space<semaphore_mem>>) src(%arg15 : memref<64x16xf32, #tpu.memory_space<vmem>>) dst(%dma_wait3A_322 : memref<64x16xf32, #tpu.memory_space<vmem_shared>>)
    %dma_wait3A_323 = arith.constant 0 : i32
    %dma_wait3A_324 = arith.constant 0 : i32
    %dma_wait3A_325 = tpu.memref_slice %arg6[%dma_wait3A_323, %dma_wait3A_324] : memref<64x128xf32, #tpu.memory_space<vmem>> -> memref<48x128xf32, #tpu.memory_space<vmem>>
    %dma_wait3A_326 = arith.constant 0 : i32
    %dma_wait3A_327 = tpu.memref_slice %arg16[%mul3A_117, %dma_wait3A_326] : memref<10000x128xf32, #tpu.memory_space<vmem_shared>> -> memref<48x128xf32, #tpu.memory_space<vmem_shared>>
    %dma_wait3A_328 = arith.constant 0 : i32
    %dma_wait3A_329 = tpu.memref_slice %arg16[%mul3A_117, %dma_wait3A_328] : memref<10000x128xf32, #tpu.memory_space<vmem_shared>> -> memref<48x128xf32, #tpu.memory_space<vmem_shared>>
    %dma_wait3A_330 = arith.constant 0 : i32
    %dma_wait3A_331 = arith.constant 0 : i32
    %dma_wait3A_332 = tpu.memref_slice %arg6[%dma_wait3A_330, %dma_wait3A_331] : memref<64x128xf32, #tpu.memory_space<vmem>> -> memref<48x128xf32, #tpu.memory_space<vmem>>
    tpu.wait_dma2 semaphore(%arg26 : memref<!tpu.dma_semaphore, #tpu.memory_space<semaphore_mem>>) src(%dma_wait3A_332 : memref<48x128xf32, #tpu.memory_space<vmem>>) dst(%dma_wait3A_329 : memref<48x128xf32, #tpu.memory_space<vmem_shared>>)
    %dma_wait3A_333 = arith.constant 0 : i32
    %dma_wait3A_334 = arith.constant 0 : i32
    %dma_wait3A_335 = tpu.memref_slice %arg15[%dma_wait3A_333, %dma_wait3A_334] : memref<64x16xf32, #tpu.memory_space<vmem>> -> memref<48x16xf32, #tpu.memory_space<vmem>>
    %dma_wait3A_336 = arith.constant 0 : i32
    %dma_wait3A_337 = tpu.memref_slice %arg17[%mul3A_117, %dma_wait3A_336] : memref<10000x16xf32, #tpu.memory_space<vmem_shared>> -> memref<48x16xf32, #tpu.memory_space<vmem_shared>>
    %dma_wait3A_338 = arith.constant 0 : i32
    %dma_wait3A_339 = tpu.memref_slice %arg17[%mul3A_117, %dma_wait3A_338] : memref<10000x16xf32, #tpu.memory_space<vmem_shared>> -> memref<48x16xf32, #tpu.memory_space<vmem_shared>>
    %dma_wait3A_340 = arith.constant 0 : i32
    %dma_wait3A_341 = arith.constant 0 : i32
    %dma_wait3A_342 = tpu.memref_slice %arg15[%dma_wait3A_340, %dma_wait3A_341] : memref<64x16xf32, #tpu.memory_space<vmem>> -> memref<48x16xf32, #tpu.memory_space<vmem>>
    tpu.wait_dma2 semaphore(%arg30 : memref<!tpu.dma_semaphore, #tpu.memory_space<semaphore_mem>>) src(%dma_wait3A_342 : memref<48x16xf32, #tpu.memory_space<vmem>>) dst(%dma_wait3A_339 : memref<48x16xf32, #tpu.memory_space<vmem_shared>>)
    %eq3A_343 = arith.constant 15 : i32
    %eq3A_344 = arith.cmpi eq, %arg1, %eq3A_343 : i32
    %convert_element_type3A_345 = arith.extui %eq3A_344 : i1 to i32
    %cond3A_346 = arith.constant 0 : i32
    %cond3A_347 = arith.cmpi ne, %convert_element_type3A_345, %cond3A_346 : i32
    scf.if %cond3A_347 {
      %dma_wait3A_595 = arith.constant 0 : i32
      %dma_wait3A_596 = arith.constant 0 : i32
      %dma_wait3A_597 = tpu.memref_slice %arg6[%dma_wait3A_595, %dma_wait3A_596] : memref<64x128xf32, #tpu.memory_space<vmem>> -> memref<16x128xf32, #tpu.memory_space<vmem>>
      %dma_wait3A_598 = arith.constant 0 : i32
      %dma_wait3A_599 = arith.constant 0 : i32
      %dma_wait3A_600 = tpu.memref_slice %arg16[%dma_wait3A_598, %dma_wait3A_599] : memref<10000x128xf32, #tpu.memory_space<vmem_shared>> -> memref<16x128xf32, #tpu.memory_space<vmem_shared>>
      %dma_wait3A_601 = arith.constant 0 : i32
      %dma_wait3A_602 = arith.constant 0 : i32
      %dma_wait3A_603 = tpu.memref_slice %arg16[%dma_wait3A_601, %dma_wait3A_602] : memref<10000x128xf32, #tpu.memory_space<vmem_shared>> -> memref<16x128xf32, #tpu.memory_space<vmem_shared>>
      %dma_wait3A_604 = arith.constant 0 : i32
      %dma_wait3A_605 = arith.constant 0 : i32
      %dma_wait3A_606 = tpu.memref_slice %arg6[%dma_wait3A_604, %dma_wait3A_605] : memref<64x128xf32, #tpu.memory_space<vmem>> -> memref<16x128xf32, #tpu.memory_space<vmem>>
      tpu.wait_dma2 semaphore(%arg26 : memref<!tpu.dma_semaphore, #tpu.memory_space<semaphore_mem>>) src(%dma_wait3A_606 : memref<16x128xf32, #tpu.memory_space<vmem>>) dst(%dma_wait3A_603 : memref<16x128xf32, #tpu.memory_space<vmem_shared>>)
      %dma_wait3A_607 = arith.constant 0 : i32
      %dma_wait3A_608 = arith.constant 0 : i32
      %dma_wait3A_609 = tpu.memref_slice %arg15[%dma_wait3A_607, %dma_wait3A_608] : memref<64x16xf32, #tpu.memory_space<vmem>> -> memref<16x16xf32, #tpu.memory_space<vmem>>
      %dma_wait3A_610 = arith.constant 0 : i32
      %dma_wait3A_611 = arith.constant 0 : i32
      %dma_wait3A_612 = tpu.memref_slice %arg17[%dma_wait3A_610, %dma_wait3A_611] : memref<10000x16xf32, #tpu.memory_space<vmem_shared>> -> memref<16x16xf32, #tpu.memory_space<vmem_shared>>
      %dma_wait3A_613 = arith.constant 0 : i32
      %dma_wait3A_614 = arith.constant 0 : i32
      %dma_wait3A_615 = tpu.memref_slice %arg17[%dma_wait3A_613, %dma_wait3A_614] : memref<10000x16xf32, #tpu.memory_space<vmem_shared>> -> memref<16x16xf32, #tpu.memory_space<vmem_shared>>
      %dma_wait3A_616 = arith.constant 0 : i32
      %dma_wait3A_617 = arith.constant 0 : i32
      %dma_wait3A_618 = tpu.memref_slice %arg15[%dma_wait3A_616, %dma_wait3A_617] : memref<64x16xf32, #tpu.memory_space<vmem>> -> memref<16x16xf32, #tpu.memory_space<vmem>>
      tpu.wait_dma2 semaphore(%arg30 : memref<!tpu.dma_semaphore, #tpu.memory_space<semaphore_mem>>) src(%dma_wait3A_618 : memref<16x16xf32, #tpu.memory_space<vmem>>) dst(%dma_wait3A_615 : memref<16x16xf32, #tpu.memory_space<vmem_shared>>)
    } else {
    }
    %barrier3A = arith.constant 0 : index
    tpu.barrier barrier_id(%barrier3A)
    %mul3A_348 = arith.constant 64 : i32
    %mul3A_349 = arith.muli %mul3A_11, %mul3A_348 : i32
    %dma_start3A_350 = arith.constant 0 : i32
    %dma_start3A_351 = arith.constant 0 : i32
    %dma_start3A_352 = tpu.memref_slice %arg6[%dma_start3A_350, %dma_start3A_351] : memref<64x128xf32, #tpu.memory_space<vmem>> -> memref<32x128xf32, #tpu.memory_space<vmem>>
    %dma_start3A_353 = arith.constant 0 : i32
    %dma_start3A_354 = tpu.memref_slice %arg2[%mul3A_349, %dma_start3A_353] : memref<320000x128xf32, #tpu.memory_space<hbm>> -> memref<32x128xf32, #tpu.memory_space<hbm>>
    %dma_start3A_355 = arith.constant 0 : i32
    %dma_start3A_356 = arith.constant 0 : i32
    %dma_start3A_357 = tpu.memref_slice %arg6[%dma_start3A_355, %dma_start3A_356] : memref<64x128xf32, #tpu.memory_space<vmem>> -> memref<32x128xf32, #tpu.memory_space<vmem>>
    %dma_start3A_358 = arith.constant 0 : i32
    %dma_start3A_359 = tpu.memref_slice %arg2[%mul3A_349, %dma_start3A_358] : memref<320000x128xf32, #tpu.memory_space<hbm>> -> memref<32x128xf32, #tpu.memory_space<hbm>>
    tpu.enqueue_dma source(%dma_start3A_359 : memref<32x128xf32, #tpu.memory_space<hbm>>) target(%dma_start3A_357 : memref<32x128xf32, #tpu.memory_space<vmem>>) target_semaphore(%arg18 : memref<!tpu.dma_semaphore, #tpu.memory_space<semaphore_mem>>)
    %mul3A_360 = arith.constant 64 : i32
    %mul3A_361 = arith.muli %mul3A_11, %mul3A_360 : i32
    %add3A_362 = arith.constant 32 : i32
    %add3A_363 = arith.addi %mul3A_361, %add3A_362 : i32
    %dma_start3A_364 = arith.constant 32 : i32
    %dma_start3A_365 = arith.constant 0 : i32
    %dma_start3A_366 = tpu.memref_slice %arg6[%dma_start3A_364, %dma_start3A_365] : memref<64x128xf32, #tpu.memory_space<vmem>> -> memref<32x128xf32, #tpu.memory_space<vmem>>
    %dma_start3A_367 = arith.constant 0 : i32
    %dma_start3A_368 = tpu.memref_slice %arg2[%add3A_363, %dma_start3A_367] : memref<320000x128xf32, #tpu.memory_space<hbm>> -> memref<32x128xf32, #tpu.memory_space<hbm>>
    %dma_start3A_369 = arith.constant 32 : i32
    %dma_start3A_370 = arith.constant 0 : i32
    %dma_start3A_371 = tpu.memref_slice %arg6[%dma_start3A_369, %dma_start3A_370] : memref<64x128xf32, #tpu.memory_space<vmem>> -> memref<32x128xf32, #tpu.memory_space<vmem>>
    %dma_start3A_372 = arith.constant 0 : i32
    %dma_start3A_373 = tpu.memref_slice %arg2[%add3A_363, %dma_start3A_372] : memref<320000x128xf32, #tpu.memory_space<hbm>> -> memref<32x128xf32, #tpu.memory_space<hbm>>
    tpu.enqueue_dma source(%dma_start3A_373 : memref<32x128xf32, #tpu.memory_space<hbm>>) target(%dma_start3A_371 : memref<32x128xf32, #tpu.memory_space<vmem>>) target_semaphore(%arg18 : memref<!tpu.dma_semaphore, #tpu.memory_space<semaphore_mem>>)
    %mul3A_374 = arith.constant 64 : i32
    %mul3A_375 = arith.muli %mul3A_11, %mul3A_374 : i32
    %dma_start3A_376 = arith.constant 1 : i32
    %dma_start3A_377 = tpu.memref_slice %arg3[%dma_start3A_376, %mul3A_375] : memref<2x320000xi32, #tpu.memory_space<hbm>> -> memref<1x64xi32, #tpu.memory_space<hbm>>
    %dma_start3A_378 = tpu.memref_squeeze %dma_start3A_377 : memref<1x64xi32, #tpu.memory_space<hbm>> -> memref<64xi32, #tpu.memory_space<hbm>>
    %dma_start3A_379 = tpu.memref_slice %arg3[%dma_start3A_376, %mul3A_375] : memref<2x320000xi32, #tpu.memory_space<hbm>> -> memref<1x64xi32, #tpu.memory_space<hbm>>
    %dma_start3A_380 = tpu.memref_squeeze %dma_start3A_379 : memref<1x64xi32, #tpu.memory_space<hbm>> -> memref<64xi32, #tpu.memory_space<hbm>>
    tpu.enqueue_dma source(%dma_start3A_380 : memref<64xi32, #tpu.memory_space<hbm>>) target(%arg10 : memref<64xi32, #tpu.memory_space<vmem>>) target_semaphore(%arg22 : memref<!tpu.dma_semaphore, #tpu.memory_space<semaphore_mem>>)
    %dma_wait3A_381 = arith.constant 0 : i32
    %dma_wait3A_382 = arith.constant 0 : i32
    %dma_wait3A_383 = tpu.memref_slice %arg6[%dma_wait3A_381, %dma_wait3A_382] : memref<64x128xf32, #tpu.memory_space<vmem>> -> memref<32x128xf32, #tpu.memory_space<vmem>>
    %dma_wait3A_384 = arith.constant 0 : i32
    %dma_wait3A_385 = arith.constant 0 : i32
    %dma_wait3A_386 = tpu.memref_slice %arg2[%dma_wait3A_384, %dma_wait3A_385] : memref<320000x128xf32, #tpu.memory_space<hbm>> -> memref<32x128xf32, #tpu.memory_space<hbm>>
    %dma_wait3A_387 = arith.constant 0 : i32
    %dma_wait3A_388 = arith.constant 0 : i32
    %dma_wait3A_389 = tpu.memref_slice %arg6[%dma_wait3A_387, %dma_wait3A_388] : memref<64x128xf32, #tpu.memory_space<vmem>> -> memref<32x128xf32, #tpu.memory_space<vmem>>
    %dma_wait3A_390 = arith.constant 0 : i32
    %dma_wait3A_391 = arith.constant 0 : i32
    %dma_wait3A_392 = tpu.memref_slice %arg2[%dma_wait3A_390, %dma_wait3A_391] : memref<320000x128xf32, #tpu.memory_space<hbm>> -> memref<32x128xf32, #tpu.memory_space<hbm>>
    tpu.wait_dma2 semaphore(%arg18 : memref<!tpu.dma_semaphore, #tpu.memory_space<semaphore_mem>>) src(%dma_wait3A_392 : memref<32x128xf32, #tpu.memory_space<hbm>>) dst(%dma_wait3A_389 : memref<32x128xf32, #tpu.memory_space<vmem>>)
    %dma_wait3A_393 = arith.constant 32 : i32
    %dma_wait3A_394 = arith.constant 0 : i32
    %dma_wait3A_395 = tpu.memref_slice %arg6[%dma_wait3A_393, %dma_wait3A_394] : memref<64x128xf32, #tpu.memory_space<vmem>> -> memref<32x128xf32, #tpu.memory_space<vmem>>
    %dma_wait3A_396 = arith.constant 0 : i32
    %dma_wait3A_397 = arith.constant 0 : i32
    %dma_wait3A_398 = tpu.memref_slice %arg2[%dma_wait3A_396, %dma_wait3A_397] : memref<320000x128xf32, #tpu.memory_space<hbm>> -> memref<32x128xf32, #tpu.memory_space<hbm>>
    %dma_wait3A_399 = arith.constant 32 : i32
    %dma_wait3A_400 = arith.constant 0 : i32
    %dma_wait3A_401 = tpu.memref_slice %arg6[%dma_wait3A_399, %dma_wait3A_400] : memref<64x128xf32, #tpu.memory_space<vmem>> -> memref<32x128xf32, #tpu.memory_space<vmem>>
    %dma_wait3A_402 = arith.constant 0 : i32
    %dma_wait3A_403 = arith.constant 0 : i32
    %dma_wait3A_404 = tpu.memref_slice %arg2[%dma_wait3A_402, %dma_wait3A_403] : memref<320000x128xf32, #tpu.memory_space<hbm>> -> memref<32x128xf32, #tpu.memory_space<hbm>>
    tpu.wait_dma2 semaphore(%arg18 : memref<!tpu.dma_semaphore, #tpu.memory_space<semaphore_mem>>) src(%dma_wait3A_404 : memref<32x128xf32, #tpu.memory_space<hbm>>) dst(%dma_wait3A_401 : memref<32x128xf32, #tpu.memory_space<vmem>>)
    %dma_wait3A_405 = arith.constant 1 : i32
    %dma_wait3A_406 = arith.constant 0 : i32
    %dma_wait3A_407 = tpu.memref_slice %arg3[%dma_wait3A_405, %dma_wait3A_406] : memref<2x320000xi32, #tpu.memory_space<hbm>> -> memref<1x64xi32, #tpu.memory_space<hbm>>
    %dma_wait3A_408 = tpu.memref_squeeze %dma_wait3A_407 : memref<1x64xi32, #tpu.memory_space<hbm>> -> memref<64xi32, #tpu.memory_space<hbm>>
    %dma_wait3A_409 = arith.constant 0 : i32
    %dma_wait3A_410 = tpu.memref_slice %arg3[%dma_wait3A_405, %dma_wait3A_409] : memref<2x320000xi32, #tpu.memory_space<hbm>> -> memref<1x64xi32, #tpu.memory_space<hbm>>
    %dma_wait3A_411 = tpu.memref_squeeze %dma_wait3A_410 : memref<1x64xi32, #tpu.memory_space<hbm>> -> memref<64xi32, #tpu.memory_space<hbm>>
    tpu.wait_dma2 semaphore(%arg22 : memref<!tpu.dma_semaphore, #tpu.memory_space<semaphore_mem>>) src(%dma_wait3A_411 : memref<64xi32, #tpu.memory_space<hbm>>) dst(%arg10 : memref<64xi32, #tpu.memory_space<vmem>>)
    %dma_start3A_412 = arith.constant 0 : i32
    %dma_start3A_413 = arith.constant 0 : i32
    %dma_start3A_414 = tpu.memref_slice %arg16[%dma_start3A_412, %dma_start3A_413] : memref<10000x128xf32, #tpu.memory_space<vmem_shared>> -> memref<10000x128xf32, #tpu.memory_space<vmem_shared>>
    tpu.enqueue_indirect_dma source(%arg6 : memref<64x128xf32, #tpu.memory_space<vmem>>) target(%dma_start3A_414 : memref<10000x128xf32, #tpu.memory_space<vmem_shared>>) offsets(%arg10 : memref<64xi32, #tpu.memory_space<vmem>>) semaphore(%arg26 : memref<!tpu.dma_semaphore, #tpu.memory_space<semaphore_mem>>) {add = true}
    %dma_start3A_415 = arith.constant 0 : i32
    %dma_start3A_416 = arith.constant 0 : i32
    %dma_start3A_417 = tpu.memref_slice %arg17[%dma_start3A_415, %dma_start3A_416] : memref<10000x16xf32, #tpu.memory_space<vmem_shared>> -> memref<10000x16xf32, #tpu.memory_space<vmem_shared>>
    tpu.enqueue_indirect_dma source(%arg14 : memref<64x16xf32, #tpu.memory_space<vmem>>) target(%dma_start3A_417 : memref<10000x16xf32, #tpu.memory_space<vmem_shared>>) offsets(%arg10 : memref<64xi32, #tpu.memory_space<vmem>>) semaphore(%arg30 : memref<!tpu.dma_semaphore, #tpu.memory_space<semaphore_mem>>) {add = true}
    %scan3A_418 = arith.constant 0 : i32
    %scan3A_419 = arith.constant 0 : i32
    %scan3A_420 = arith.constant 38 : i32
    %scan3A_421 = arith.addi %scan3A_419, %scan3A_420 : i32
    %scan3A_422 = arith.constant 1 : i32
    %scan3A_423 = scf.for %scan3A_595 = %scan3A_419 to %scan3A_421 step %scan3A_422 iter_args(%scan3A_596 = %scan3A_418) -> (i32)  : i32 {
      %add3A_597 = arith.constant 1 : i32
      %add3A_598 = arith.addi %mul3A_11, %add3A_597 : i32
      %mul3A_599 = arith.constant 4 : i32
      %mul3A_600 = arith.muli %mul3A_599, %scan3A_595 : i32
      %add3A_601 = arith.addi %add3A_598, %mul3A_600 : i32
      %add3A_602 = arith.constant 0 : i32
      %add3A_603 = arith.addi %add3A_601, %add3A_602 : i32
      %dma_wait3A_604 = arith.constant 0 : i32
      %dma_wait3A_605 = arith.constant 0 : i32
      %dma_wait3A_606 = tpu.memref_slice %arg7[%dma_wait3A_604, %dma_wait3A_605] : memref<64x128xf32, #tpu.memory_space<vmem>> -> memref<32x128xf32, #tpu.memory_space<vmem>>
      %dma_wait3A_607 = arith.constant 0 : i32
      %dma_wait3A_608 = arith.constant 0 : i32
      %dma_wait3A_609 = tpu.memref_slice %arg2[%dma_wait3A_607, %dma_wait3A_608] : memref<320000x128xf32, #tpu.memory_space<hbm>> -> memref<32x128xf32, #tpu.memory_space<hbm>>
      %dma_wait3A_610 = arith.constant 0 : i32
      %dma_wait3A_611 = arith.constant 0 : i32
      %dma_wait3A_612 = tpu.memref_slice %arg7[%dma_wait3A_610, %dma_wait3A_611] : memref<64x128xf32, #tpu.memory_space<vmem>> -> memref<32x128xf32, #tpu.memory_space<vmem>>
      %dma_wait3A_613 = arith.constant 0 : i32
      %dma_wait3A_614 = arith.constant 0 : i32
      %dma_wait3A_615 = tpu.memref_slice %arg2[%dma_wait3A_613, %dma_wait3A_614] : memref<320000x128xf32, #tpu.memory_space<hbm>> -> memref<32x128xf32, #tpu.memory_space<hbm>>
      tpu.wait_dma2 semaphore(%arg19 : memref<!tpu.dma_semaphore, #tpu.memory_space<semaphore_mem>>) src(%dma_wait3A_615 : memref<32x128xf32, #tpu.memory_space<hbm>>) dst(%dma_wait3A_612 : memref<32x128xf32, #tpu.memory_space<vmem>>)
      %dma_wait3A_616 = arith.constant 32 : i32
      %dma_wait3A_617 = arith.constant 0 : i32
      %dma_wait3A_618 = tpu.memref_slice %arg7[%dma_wait3A_616, %dma_wait3A_617] : memref<64x128xf32, #tpu.memory_space<vmem>> -> memref<32x128xf32, #tpu.memory_space<vmem>>
      %dma_wait3A_619 = arith.constant 0 : i32
      %dma_wait3A_620 = arith.constant 0 : i32
      %dma_wait3A_621 = tpu.memref_slice %arg2[%dma_wait3A_619, %dma_wait3A_620] : memref<320000x128xf32, #tpu.memory_space<hbm>> -> memref<32x128xf32, #tpu.memory_space<hbm>>
      %dma_wait3A_622 = arith.constant 32 : i32
      %dma_wait3A_623 = arith.constant 0 : i32
      %dma_wait3A_624 = tpu.memref_slice %arg7[%dma_wait3A_622, %dma_wait3A_623] : memref<64x128xf32, #tpu.memory_space<vmem>> -> memref<32x128xf32, #tpu.memory_space<vmem>>
      %dma_wait3A_625 = arith.constant 0 : i32
      %dma_wait3A_626 = arith.constant 0 : i32
      %dma_wait3A_627 = tpu.memref_slice %arg2[%dma_wait3A_625, %dma_wait3A_626] : memref<320000x128xf32, #tpu.memory_space<hbm>> -> memref<32x128xf32, #tpu.memory_space<hbm>>
      tpu.wait_dma2 semaphore(%arg19 : memref<!tpu.dma_semaphore, #tpu.memory_space<semaphore_mem>>) src(%dma_wait3A_627 : memref<32x128xf32, #tpu.memory_space<hbm>>) dst(%dma_wait3A_624 : memref<32x128xf32, #tpu.memory_space<vmem>>)
      %dma_wait3A_628 = arith.constant 1 : i32
      %dma_wait3A_629 = arith.constant 0 : i32
      %dma_wait3A_630 = tpu.memref_slice %arg3[%dma_wait3A_628, %dma_wait3A_629] : memref<2x320000xi32, #tpu.memory_space<hbm>> -> memref<1x64xi32, #tpu.memory_space<hbm>>
      %dma_wait3A_631 = tpu.memref_squeeze %dma_wait3A_630 : memref<1x64xi32, #tpu.memory_space<hbm>> -> memref<64xi32, #tpu.memory_space<hbm>>
      %dma_wait3A_632 = arith.constant 0 : i32
      %dma_wait3A_633 = tpu.memref_slice %arg3[%dma_wait3A_628, %dma_wait3A_632] : memref<2x320000xi32, #tpu.memory_space<hbm>> -> memref<1x64xi32, #tpu.memory_space<hbm>>
      %dma_wait3A_634 = tpu.memref_squeeze %dma_wait3A_633 : memref<1x64xi32, #tpu.memory_space<hbm>> -> memref<64xi32, #tpu.memory_space<hbm>>
      tpu.wait_dma2 semaphore(%arg23 : memref<!tpu.dma_semaphore, #tpu.memory_space<semaphore_mem>>) src(%dma_wait3A_634 : memref<64xi32, #tpu.memory_space<hbm>>) dst(%arg11 : memref<64xi32, #tpu.memory_space<vmem>>)
      %dma_start3A_635 = arith.constant 0 : i32
      %dma_start3A_636 = arith.constant 0 : i32
      %dma_start3A_637 = tpu.memref_slice %arg16[%dma_start3A_635, %dma_start3A_636] : memref<10000x128xf32, #tpu.memory_space<vmem_shared>> -> memref<10000x128xf32, #tpu.memory_space<vmem_shared>>
      tpu.enqueue_indirect_dma source(%arg7 : memref<64x128xf32, #tpu.memory_space<vmem>>) target(%dma_start3A_637 : memref<10000x128xf32, #tpu.memory_space<vmem_shared>>) offsets(%arg11 : memref<64xi32, #tpu.memory_space<vmem>>) semaphore(%arg27 : memref<!tpu.dma_semaphore, #tpu.memory_space<semaphore_mem>>) {add = true}
      %dma_start3A_638 = arith.constant 0 : i32
      %dma_start3A_639 = arith.constant 0 : i32
      %dma_start3A_640 = tpu.memref_slice %arg17[%dma_start3A_638, %dma_start3A_639] : memref<10000x16xf32, #tpu.memory_space<vmem_shared>> -> memref<10000x16xf32, #tpu.memory_space<vmem_shared>>
      tpu.enqueue_indirect_dma source(%arg14 : memref<64x16xf32, #tpu.memory_space<vmem>>) target(%dma_start3A_640 : memref<10000x16xf32, #tpu.memory_space<vmem_shared>>) offsets(%arg11 : memref<64xi32, #tpu.memory_space<vmem>>) semaphore(%arg31 : memref<!tpu.dma_semaphore, #tpu.memory_space<semaphore_mem>>) {add = true}
      %dma_wait3A_641 = arith.constant 0 : i32
      %dma_wait3A_642 = arith.constant 0 : i32
      %dma_wait3A_643 = tpu.memref_slice %arg16[%dma_wait3A_641, %dma_wait3A_642] : memref<10000x128xf32, #tpu.memory_space<vmem_shared>> -> memref<10000x128xf32, #tpu.memory_space<vmem_shared>>
      tpu.wait_indirect_dma semaphore(%arg26 : memref<!tpu.dma_semaphore, #tpu.memory_space<semaphore_mem>>) src(%arg6 : memref<64x128xf32, #tpu.memory_space<vmem>>) dst(%dma_wait3A_643 : memref<10000x128xf32, #tpu.memory_space<vmem_shared>>)
      %dma_wait3A_644 = arith.constant 0 : i32
      %dma_wait3A_645 = arith.constant 0 : i32
      %dma_wait3A_646 = tpu.memref_slice %arg17[%dma_wait3A_644, %dma_wait3A_645] : memref<10000x16xf32, #tpu.memory_space<vmem_shared>> -> memref<10000x16xf32, #tpu.memory_space<vmem_shared>>
      tpu.wait_indirect_dma semaphore(%arg30 : memref<!tpu.dma_semaphore, #tpu.memory_space<semaphore_mem>>) src(%arg14 : memref<64x16xf32, #tpu.memory_space<vmem>>) dst(%dma_wait3A_646 : memref<10000x16xf32, #tpu.memory_space<vmem_shared>>)
      %add3A_647 = arith.constant 3 : i32
      %add3A_648 = arith.addi %add3A_603, %add3A_647 : i32
      %mul3A_649 = arith.constant 64 : i32
      %mul3A_650 = arith.muli %add3A_648, %mul3A_649 : i32
      %dma_start3A_651 = arith.constant 0 : i32
      %dma_start3A_652 = arith.constant 0 : i32
      %dma_start3A_653 = tpu.memref_slice %arg6[%dma_start3A_651, %dma_start3A_652] : memref<64x128xf32, #tpu.memory_space<vmem>> -> memref<32x128xf32, #tpu.memory_space<vmem>>
      %dma_start3A_654 = arith.constant 0 : i32
      %dma_start3A_655 = tpu.memref_slice %arg2[%mul3A_650, %dma_start3A_654] : memref<320000x128xf32, #tpu.memory_space<hbm>> -> memref<32x128xf32, #tpu.memory_space<hbm>>
      %dma_start3A_656 = arith.constant 0 : i32
      %dma_start3A_657 = arith.constant 0 : i32
      %dma_start3A_658 = tpu.memref_slice %arg6[%dma_start3A_656, %dma_start3A_657] : memref<64x128xf32, #tpu.memory_space<vmem>> -> memref<32x128xf32, #tpu.memory_space<vmem>>
      %dma_start3A_659 = arith.constant 0 : i32
      %dma_start3A_660 = tpu.memref_slice %arg2[%mul3A_650, %dma_start3A_659] : memref<320000x128xf32, #tpu.memory_space<hbm>> -> memref<32x128xf32, #tpu.memory_space<hbm>>
      tpu.enqueue_dma source(%dma_start3A_660 : memref<32x128xf32, #tpu.memory_space<hbm>>) target(%dma_start3A_658 : memref<32x128xf32, #tpu.memory_space<vmem>>) target_semaphore(%arg18 : memref<!tpu.dma_semaphore, #tpu.memory_space<semaphore_mem>>)
      %mul3A_661 = arith.constant 64 : i32
      %mul3A_662 = arith.muli %add3A_648, %mul3A_661 : i32
      %add3A_663 = arith.constant 32 : i32
      %add3A_664 = arith.addi %mul3A_662, %add3A_663 : i32
      %dma_start3A_665 = arith.constant 32 : i32
      %dma_start3A_666 = arith.constant 0 : i32
      %dma_start3A_667 = tpu.memref_slice %arg6[%dma_start3A_665, %dma_start3A_666] : memref<64x128xf32, #tpu.memory_space<vmem>> -> memref<32x128xf32, #tpu.memory_space<vmem>>
      %dma_start3A_668 = arith.constant 0 : i32
      %dma_start3A_669 = tpu.memref_slice %arg2[%add3A_664, %dma_start3A_668] : memref<320000x128xf32, #tpu.memory_space<hbm>> -> memref<32x128xf32, #tpu.memory_space<hbm>>
      %dma_start3A_670 = arith.constant 32 : i32
      %dma_start3A_671 = arith.constant 0 : i32
      %dma_start3A_672 = tpu.memref_slice %arg6[%dma_start3A_670, %dma_start3A_671] : memref<64x128xf32, #tpu.memory_space<vmem>> -> memref<32x128xf32, #tpu.memory_space<vmem>>
      %dma_start3A_673 = arith.constant 0 : i32
      %dma_start3A_674 = tpu.memref_slice %arg2[%add3A_664, %dma_start3A_673] : memref<320000x128xf32, #tpu.memory_space<hbm>> -> memref<32x128xf32, #tpu.memory_space<hbm>>
      tpu.enqueue_dma source(%dma_start3A_674 : memref<32x128xf32, #tpu.memory_space<hbm>>) target(%dma_start3A_672 : memref<32x128xf32, #tpu.memory_space<vmem>>) target_semaphore(%arg18 : memref<!tpu.dma_semaphore, #tpu.memory_space<semaphore_mem>>)
      %mul3A_675 = arith.constant 64 : i32
      %mul3A_676 = arith.muli %add3A_648, %mul3A_675 : i32
      %dma_start3A_677 = arith.constant 1 : i32
      %dma_start3A_678 = tpu.memref_slice %arg3[%dma_start3A_677, %mul3A_676] : memref<2x320000xi32, #tpu.memory_space<hbm>> -> memref<1x64xi32, #tpu.memory_space<hbm>>
      %dma_start3A_679 = tpu.memref_squeeze %dma_start3A_678 : memref<1x64xi32, #tpu.memory_space<hbm>> -> memref<64xi32, #tpu.memory_space<hbm>>
      %dma_start3A_680 = tpu.memref_slice %arg3[%dma_start3A_677, %mul3A_676] : memref<2x320000xi32, #tpu.memory_space<hbm>> -> memref<1x64xi32, #tpu.memory_space<hbm>>
      %dma_start3A_681 = tpu.memref_squeeze %dma_start3A_680 : memref<1x64xi32, #tpu.memory_space<hbm>> -> memref<64xi32, #tpu.memory_space<hbm>>
      tpu.enqueue_dma source(%dma_start3A_681 : memref<64xi32, #tpu.memory_space<hbm>>) target(%arg10 : memref<64xi32, #tpu.memory_space<vmem>>) target_semaphore(%arg22 : memref<!tpu.dma_semaphore, #tpu.memory_space<semaphore_mem>>)
      %add3A_682 = arith.constant 1 : i32
      %add3A_683 = arith.addi %mul3A_11, %add3A_682 : i32
      %mul3A_684 = arith.constant 4 : i32
      %mul3A_685 = arith.muli %mul3A_684, %scan3A_595 : i32
      %add3A_686 = arith.addi %add3A_683, %mul3A_685 : i32
      %add3A_687 = arith.constant 1 : i32
      %add3A_688 = arith.addi %add3A_686, %add3A_687 : i32
      %dma_wait3A_689 = arith.constant 0 : i32
      %dma_wait3A_690 = arith.constant 0 : i32
      %dma_wait3A_691 = tpu.memref_slice %arg8[%dma_wait3A_689, %dma_wait3A_690] : memref<64x128xf32, #tpu.memory_space<vmem>> -> memref<32x128xf32, #tpu.memory_space<vmem>>
      %dma_wait3A_692 = arith.constant 0 : i32
      %dma_wait3A_693 = arith.constant 0 : i32
      %dma_wait3A_694 = tpu.memref_slice %arg2[%dma_wait3A_692, %dma_wait3A_693] : memref<320000x128xf32, #tpu.memory_space<hbm>> -> memref<32x128xf32, #tpu.memory_space<hbm>>
      %dma_wait3A_695 = arith.constant 0 : i32
      %dma_wait3A_696 = arith.constant 0 : i32
      %dma_wait3A_697 = tpu.memref_slice %arg8[%dma_wait3A_695, %dma_wait3A_696] : memref<64x128xf32, #tpu.memory_space<vmem>> -> memref<32x128xf32, #tpu.memory_space<vmem>>
      %dma_wait3A_698 = arith.constant 0 : i32
      %dma_wait3A_699 = arith.constant 0 : i32
      %dma_wait3A_700 = tpu.memref_slice %arg2[%dma_wait3A_698, %dma_wait3A_699] : memref<320000x128xf32, #tpu.memory_space<hbm>> -> memref<32x128xf32, #tpu.memory_space<hbm>>
      tpu.wait_dma2 semaphore(%arg20 : memref<!tpu.dma_semaphore, #tpu.memory_space<semaphore_mem>>) src(%dma_wait3A_700 : memref<32x128xf32, #tpu.memory_space<hbm>>) dst(%dma_wait3A_697 : memref<32x128xf32, #tpu.memory_space<vmem>>)
      %dma_wait3A_701 = arith.constant 32 : i32
      %dma_wait3A_702 = arith.constant 0 : i32
      %dma_wait3A_703 = tpu.memref_slice %arg8[%dma_wait3A_701, %dma_wait3A_702] : memref<64x128xf32, #tpu.memory_space<vmem>> -> memref<32x128xf32, #tpu.memory_space<vmem>>
      %dma_wait3A_704 = arith.constant 0 : i32
      %dma_wait3A_705 = arith.constant 0 : i32
      %dma_wait3A_706 = tpu.memref_slice %arg2[%dma_wait3A_704, %dma_wait3A_705] : memref<320000x128xf32, #tpu.memory_space<hbm>> -> memref<32x128xf32, #tpu.memory_space<hbm>>
      %dma_wait3A_707 = arith.constant 32 : i32
      %dma_wait3A_708 = arith.constant 0 : i32
      %dma_wait3A_709 = tpu.memref_slice %arg8[%dma_wait3A_707, %dma_wait3A_708] : memref<64x128xf32, #tpu.memory_space<vmem>> -> memref<32x128xf32, #tpu.memory_space<vmem>>
      %dma_wait3A_710 = arith.constant 0 : i32
      %dma_wait3A_711 = arith.constant 0 : i32
      %dma_wait3A_712 = tpu.memref_slice %arg2[%dma_wait3A_710, %dma_wait3A_711] : memref<320000x128xf32, #tpu.memory_space<hbm>> -> memref<32x128xf32, #tpu.memory_space<hbm>>
      tpu.wait_dma2 semaphore(%arg20 : memref<!tpu.dma_semaphore, #tpu.memory_space<semaphore_mem>>) src(%dma_wait3A_712 : memref<32x128xf32, #tpu.memory_space<hbm>>) dst(%dma_wait3A_709 : memref<32x128xf32, #tpu.memory_space<vmem>>)
      %dma_wait3A_713 = arith.constant 1 : i32
      %dma_wait3A_714 = arith.constant 0 : i32
      %dma_wait3A_715 = tpu.memref_slice %arg3[%dma_wait3A_713, %dma_wait3A_714] : memref<2x320000xi32, #tpu.memory_space<hbm>> -> memref<1x64xi32, #tpu.memory_space<hbm>>
      %dma_wait3A_716 = tpu.memref_squeeze %dma_wait3A_715 : memref<1x64xi32, #tpu.memory_space<hbm>> -> memref<64xi32, #tpu.memory_space<hbm>>
      %dma_wait3A_717 = arith.constant 0 : i32
      %dma_wait3A_718 = tpu.memref_slice %arg3[%dma_wait3A_713, %dma_wait3A_717] : memref<2x320000xi32, #tpu.memory_space<hbm>> -> memref<1x64xi32, #tpu.memory_space<hbm>>
      %dma_wait3A_719 = tpu.memref_squeeze %dma_wait3A_718 : memref<1x64xi32, #tpu.memory_space<hbm>> -> memref<64xi32, #tpu.memory_space<hbm>>
      tpu.wait_dma2 semaphore(%arg24 : memref<!tpu.dma_semaphore, #tpu.memory_space<semaphore_mem>>) src(%dma_wait3A_719 : memref<64xi32, #tpu.memory_space<hbm>>) dst(%arg12 : memref<64xi32, #tpu.memory_space<vmem>>)
      %dma_start3A_720 = arith.constant 0 : i32
      %dma_start3A_721 = arith.constant 0 : i32
      %dma_start3A_722 = tpu.memref_slice %arg16[%dma_start3A_720, %dma_start3A_721] : memref<10000x128xf32, #tpu.memory_space<vmem_shared>> -> memref<10000x128xf32, #tpu.memory_space<vmem_shared>>
      tpu.enqueue_indirect_dma source(%arg8 : memref<64x128xf32, #tpu.memory_space<vmem>>) target(%dma_start3A_722 : memref<10000x128xf32, #tpu.memory_space<vmem_shared>>) offsets(%arg12 : memref<64xi32, #tpu.memory_space<vmem>>) semaphore(%arg28 : memref<!tpu.dma_semaphore, #tpu.memory_space<semaphore_mem>>) {add = true}
      %dma_start3A_723 = arith.constant 0 : i32
      %dma_start3A_724 = arith.constant 0 : i32
      %dma_start3A_725 = tpu.memref_slice %arg17[%dma_start3A_723, %dma_start3A_724] : memref<10000x16xf32, #tpu.memory_space<vmem_shared>> -> memref<10000x16xf32, #tpu.memory_space<vmem_shared>>
      tpu.enqueue_indirect_dma source(%arg14 : memref<64x16xf32, #tpu.memory_space<vmem>>) target(%dma_start3A_725 : memref<10000x16xf32, #tpu.memory_space<vmem_shared>>) offsets(%arg12 : memref<64xi32, #tpu.memory_space<vmem>>) semaphore(%arg32 : memref<!tpu.dma_semaphore, #tpu.memory_space<semaphore_mem>>) {add = true}
      %dma_wait3A_726 = arith.constant 0 : i32
      %dma_wait3A_727 = arith.constant 0 : i32
      %dma_wait3A_728 = tpu.memref_slice %arg16[%dma_wait3A_726, %dma_wait3A_727] : memref<10000x128xf32, #tpu.memory_space<vmem_shared>> -> memref<10000x128xf32, #tpu.memory_space<vmem_shared>>
      tpu.wait_indirect_dma semaphore(%arg27 : memref<!tpu.dma_semaphore, #tpu.memory_space<semaphore_mem>>) src(%arg7 : memref<64x128xf32, #tpu.memory_space<vmem>>) dst(%dma_wait3A_728 : memref<10000x128xf32, #tpu.memory_space<vmem_shared>>)
      %dma_wait3A_729 = arith.constant 0 : i32
      %dma_wait3A_730 = arith.constant 0 : i32
      %dma_wait3A_731 = tpu.memref_slice %arg17[%dma_wait3A_729, %dma_wait3A_730] : memref<10000x16xf32, #tpu.memory_space<vmem_shared>> -> memref<10000x16xf32, #tpu.memory_space<vmem_shared>>
      tpu.wait_indirect_dma semaphore(%arg31 : memref<!tpu.dma_semaphore, #tpu.memory_space<semaphore_mem>>) src(%arg14 : memref<64x16xf32, #tpu.memory_space<vmem>>) dst(%dma_wait3A_731 : memref<10000x16xf32, #tpu.memory_space<vmem_shared>>)
      %add3A_732 = arith.constant 3 : i32
      %add3A_733 = arith.addi %add3A_688, %add3A_732 : i32
      %mul3A_734 = arith.constant 64 : i32
      %mul3A_735 = arith.muli %add3A_733, %mul3A_734 : i32
      %dma_start3A_736 = arith.constant 0 : i32
      %dma_start3A_737 = arith.constant 0 : i32
      %dma_start3A_738 = tpu.memref_slice %arg7[%dma_start3A_736, %dma_start3A_737] : memref<64x128xf32, #tpu.memory_space<vmem>> -> memref<32x128xf32, #tpu.memory_space<vmem>>
      %dma_start3A_739 = arith.constant 0 : i32
      %dma_start3A_740 = tpu.memref_slice %arg2[%mul3A_735, %dma_start3A_739] : memref<320000x128xf32, #tpu.memory_space<hbm>> -> memref<32x128xf32, #tpu.memory_space<hbm>>
      %dma_start3A_741 = arith.constant 0 : i32
      %dma_start3A_742 = arith.constant 0 : i32
      %dma_start3A_743 = tpu.memref_slice %arg7[%dma_start3A_741, %dma_start3A_742] : memref<64x128xf32, #tpu.memory_space<vmem>> -> memref<32x128xf32, #tpu.memory_space<vmem>>
      %dma_start3A_744 = arith.constant 0 : i32
      %dma_start3A_745 = tpu.memref_slice %arg2[%mul3A_735, %dma_start3A_744] : memref<320000x128xf32, #tpu.memory_space<hbm>> -> memref<32x128xf32, #tpu.memory_space<hbm>>
      tpu.enqueue_dma source(%dma_start3A_745 : memref<32x128xf32, #tpu.memory_space<hbm>>) target(%dma_start3A_743 : memref<32x128xf32, #tpu.memory_space<vmem>>) target_semaphore(%arg19 : memref<!tpu.dma_semaphore, #tpu.memory_space<semaphore_mem>>)
      %mul3A_746 = arith.constant 64 : i32
      %mul3A_747 = arith.muli %add3A_733, %mul3A_746 : i32
      %add3A_748 = arith.constant 32 : i32
      %add3A_749 = arith.addi %mul3A_747, %add3A_748 : i32
      %dma_start3A_750 = arith.constant 32 : i32
      %dma_start3A_751 = arith.constant 0 : i32
      %dma_start3A_752 = tpu.memref_slice %arg7[%dma_start3A_750, %dma_start3A_751] : memref<64x128xf32, #tpu.memory_space<vmem>> -> memref<32x128xf32, #tpu.memory_space<vmem>>
      %dma_start3A_753 = arith.constant 0 : i32
      %dma_start3A_754 = tpu.memref_slice %arg2[%add3A_749, %dma_start3A_753] : memref<320000x128xf32, #tpu.memory_space<hbm>> -> memref<32x128xf32, #tpu.memory_space<hbm>>
      %dma_start3A_755 = arith.constant 32 : i32
      %dma_start3A_756 = arith.constant 0 : i32
      %dma_start3A_757 = tpu.memref_slice %arg7[%dma_start3A_755, %dma_start3A_756] : memref<64x128xf32, #tpu.memory_space<vmem>> -> memref<32x128xf32, #tpu.memory_space<vmem>>
      %dma_start3A_758 = arith.constant 0 : i32
      %dma_start3A_759 = tpu.memref_slice %arg2[%add3A_749, %dma_start3A_758] : memref<320000x128xf32, #tpu.memory_space<hbm>> -> memref<32x128xf32, #tpu.memory_space<hbm>>
      tpu.enqueue_dma source(%dma_start3A_759 : memref<32x128xf32, #tpu.memory_space<hbm>>) target(%dma_start3A_757 : memref<32x128xf32, #tpu.memory_space<vmem>>) target_semaphore(%arg19 : memref<!tpu.dma_semaphore, #tpu.memory_space<semaphore_mem>>)
      %mul3A_760 = arith.constant 64 : i32
      %mul3A_761 = arith.muli %add3A_733, %mul3A_760 : i32
      %dma_start3A_762 = arith.constant 1 : i32
      %dma_start3A_763 = tpu.memref_slice %arg3[%dma_start3A_762, %mul3A_761] : memref<2x320000xi32, #tpu.memory_space<hbm>> -> memref<1x64xi32, #tpu.memory_space<hbm>>
      %dma_start3A_764 = tpu.memref_squeeze %dma_start3A_763 : memref<1x64xi32, #tpu.memory_space<hbm>> -> memref<64xi32, #tpu.memory_space<hbm>>
      %dma_start3A_765 = tpu.memref_slice %arg3[%dma_start3A_762, %mul3A_761] : memref<2x320000xi32, #tpu.memory_space<hbm>> -> memref<1x64xi32, #tpu.memory_space<hbm>>
      %dma_start3A_766 = tpu.memref_squeeze %dma_start3A_765 : memref<1x64xi32, #tpu.memory_space<hbm>> -> memref<64xi32, #tpu.memory_space<hbm>>
      tpu.enqueue_dma source(%dma_start3A_766 : memref<64xi32, #tpu.memory_space<hbm>>) target(%arg11 : memref<64xi32, #tpu.memory_space<vmem>>) target_semaphore(%arg23 : memref<!tpu.dma_semaphore, #tpu.memory_space<semaphore_mem>>)
      %add3A_767 = arith.constant 1 : i32
      %add3A_768 = arith.addi %mul3A_11, %add3A_767 : i32
      %mul3A_769 = arith.constant 4 : i32
      %mul3A_770 = arith.muli %mul3A_769, %scan3A_595 : i32
      %add3A_771 = arith.addi %add3A_768, %mul3A_770 : i32
      %add3A_772 = arith.constant 2 : i32
      %add3A_773 = arith.addi %add3A_771, %add3A_772 : i32
      %dma_wait3A_774 = arith.constant 0 : i32
      %dma_wait3A_775 = arith.constant 0 : i32
      %dma_wait3A_776 = tpu.memref_slice %arg9[%dma_wait3A_774, %dma_wait3A_775] : memref<64x128xf32, #tpu.memory_space<vmem>> -> memref<32x128xf32, #tpu.memory_space<vmem>>
      %dma_wait3A_777 = arith.constant 0 : i32
      %dma_wait3A_778 = arith.constant 0 : i32
      %dma_wait3A_779 = tpu.memref_slice %arg2[%dma_wait3A_777, %dma_wait3A_778] : memref<320000x128xf32, #tpu.memory_space<hbm>> -> memref<32x128xf32, #tpu.memory_space<hbm>>
      %dma_wait3A_780 = arith.constant 0 : i32
      %dma_wait3A_781 = arith.constant 0 : i32
      %dma_wait3A_782 = tpu.memref_slice %arg9[%dma_wait3A_780, %dma_wait3A_781] : memref<64x128xf32, #tpu.memory_space<vmem>> -> memref<32x128xf32, #tpu.memory_space<vmem>>
      %dma_wait3A_783 = arith.constant 0 : i32
      %dma_wait3A_784 = arith.constant 0 : i32
      %dma_wait3A_785 = tpu.memref_slice %arg2[%dma_wait3A_783, %dma_wait3A_784] : memref<320000x128xf32, #tpu.memory_space<hbm>> -> memref<32x128xf32, #tpu.memory_space<hbm>>
      tpu.wait_dma2 semaphore(%arg21 : memref<!tpu.dma_semaphore, #tpu.memory_space<semaphore_mem>>) src(%dma_wait3A_785 : memref<32x128xf32, #tpu.memory_space<hbm>>) dst(%dma_wait3A_782 : memref<32x128xf32, #tpu.memory_space<vmem>>)
      %dma_wait3A_786 = arith.constant 32 : i32
      %dma_wait3A_787 = arith.constant 0 : i32
      %dma_wait3A_788 = tpu.memref_slice %arg9[%dma_wait3A_786, %dma_wait3A_787] : memref<64x128xf32, #tpu.memory_space<vmem>> -> memref<32x128xf32, #tpu.memory_space<vmem>>
      %dma_wait3A_789 = arith.constant 0 : i32
      %dma_wait3A_790 = arith.constant 0 : i32
      %dma_wait3A_791 = tpu.memref_slice %arg2[%dma_wait3A_789, %dma_wait3A_790] : memref<320000x128xf32, #tpu.memory_space<hbm>> -> memref<32x128xf32, #tpu.memory_space<hbm>>
      %dma_wait3A_792 = arith.constant 32 : i32
      %dma_wait3A_793 = arith.constant 0 : i32
      %dma_wait3A_794 = tpu.memref_slice %arg9[%dma_wait3A_792, %dma_wait3A_793] : memref<64x128xf32, #tpu.memory_space<vmem>> -> memref<32x128xf32, #tpu.memory_space<vmem>>
      %dma_wait3A_795 = arith.constant 0 : i32
      %dma_wait3A_796 = arith.constant 0 : i32
      %dma_wait3A_797 = tpu.memref_slice %arg2[%dma_wait3A_795, %dma_wait3A_796] : memref<320000x128xf32, #tpu.memory_space<hbm>> -> memref<32x128xf32, #tpu.memory_space<hbm>>
      tpu.wait_dma2 semaphore(%arg21 : memref<!tpu.dma_semaphore, #tpu.memory_space<semaphore_mem>>) src(%dma_wait3A_797 : memref<32x128xf32, #tpu.memory_space<hbm>>) dst(%dma_wait3A_794 : memref<32x128xf32, #tpu.memory_space<vmem>>)
      %dma_wait3A_798 = arith.constant 1 : i32
      %dma_wait3A_799 = arith.constant 0 : i32
      %dma_wait3A_800 = tpu.memref_slice %arg3[%dma_wait3A_798, %dma_wait3A_799] : memref<2x320000xi32, #tpu.memory_space<hbm>> -> memref<1x64xi32, #tpu.memory_space<hbm>>
      %dma_wait3A_801 = tpu.memref_squeeze %dma_wait3A_800 : memref<1x64xi32, #tpu.memory_space<hbm>> -> memref<64xi32, #tpu.memory_space<hbm>>
      %dma_wait3A_802 = arith.constant 0 : i32
      %dma_wait3A_803 = tpu.memref_slice %arg3[%dma_wait3A_798, %dma_wait3A_802] : memref<2x320000xi32, #tpu.memory_space<hbm>> -> memref<1x64xi32, #tpu.memory_space<hbm>>
      %dma_wait3A_804 = tpu.memref_squeeze %dma_wait3A_803 : memref<1x64xi32, #tpu.memory_space<hbm>> -> memref<64xi32, #tpu.memory_space<hbm>>
      tpu.wait_dma2 semaphore(%arg25 : memref<!tpu.dma_semaphore, #tpu.memory_space<semaphore_mem>>) src(%dma_wait3A_804 : memref<64xi32, #tpu.memory_space<hbm>>) dst(%arg13 : memref<64xi32, #tpu.memory_space<vmem>>)
      %dma_start3A_805 = arith.constant 0 : i32
      %dma_start3A_806 = arith.constant 0 : i32
      %dma_start3A_807 = tpu.memref_slice %arg16[%dma_start3A_805, %dma_start3A_806] : memref<10000x128xf32, #tpu.memory_space<vmem_shared>> -> memref<10000x128xf32, #tpu.memory_space<vmem_shared>>
      tpu.enqueue_indirect_dma source(%arg9 : memref<64x128xf32, #tpu.memory_space<vmem>>) target(%dma_start3A_807 : memref<10000x128xf32, #tpu.memory_space<vmem_shared>>) offsets(%arg13 : memref<64xi32, #tpu.memory_space<vmem>>) semaphore(%arg29 : memref<!tpu.dma_semaphore, #tpu.memory_space<semaphore_mem>>) {add = true}
      %dma_start3A_808 = arith.constant 0 : i32
      %dma_start3A_809 = arith.constant 0 : i32
      %dma_start3A_810 = tpu.memref_slice %arg17[%dma_start3A_808, %dma_start3A_809] : memref<10000x16xf32, #tpu.memory_space<vmem_shared>> -> memref<10000x16xf32, #tpu.memory_space<vmem_shared>>
      tpu.enqueue_indirect_dma source(%arg14 : memref<64x16xf32, #tpu.memory_space<vmem>>) target(%dma_start3A_810 : memref<10000x16xf32, #tpu.memory_space<vmem_shared>>) offsets(%arg13 : memref<64xi32, #tpu.memory_space<vmem>>) semaphore(%arg33 : memref<!tpu.dma_semaphore, #tpu.memory_space<semaphore_mem>>) {add = true}
      %dma_wait3A_811 = arith.constant 0 : i32
      %dma_wait3A_812 = arith.constant 0 : i32
      %dma_wait3A_813 = tpu.memref_slice %arg16[%dma_wait3A_811, %dma_wait3A_812] : memref<10000x128xf32, #tpu.memory_space<vmem_shared>> -> memref<10000x128xf32, #tpu.memory_space<vmem_shared>>
      tpu.wait_indirect_dma semaphore(%arg28 : memref<!tpu.dma_semaphore, #tpu.memory_space<semaphore_mem>>) src(%arg8 : memref<64x128xf32, #tpu.memory_space<vmem>>) dst(%dma_wait3A_813 : memref<10000x128xf32, #tpu.memory_space<vmem_shared>>)
      %dma_wait3A_814 = arith.constant 0 : i32
      %dma_wait3A_815 = arith.constant 0 : i32
      %dma_wait3A_816 = tpu.memref_slice %arg17[%dma_wait3A_814, %dma_wait3A_815] : memref<10000x16xf32, #tpu.memory_space<vmem_shared>> -> memref<10000x16xf32, #tpu.memory_space<vmem_shared>>
      tpu.wait_indirect_dma semaphore(%arg32 : memref<!tpu.dma_semaphore, #tpu.memory_space<semaphore_mem>>) src(%arg14 : memref<64x16xf32, #tpu.memory_space<vmem>>) dst(%dma_wait3A_816 : memref<10000x16xf32, #tpu.memory_space<vmem_shared>>)
      %add3A_817 = arith.constant 3 : i32
      %add3A_818 = arith.addi %add3A_773, %add3A_817 : i32
      %mul3A_819 = arith.constant 64 : i32
      %mul3A_820 = arith.muli %add3A_818, %mul3A_819 : i32
      %dma_start3A_821 = arith.constant 0 : i32
      %dma_start3A_822 = arith.constant 0 : i32
      %dma_start3A_823 = tpu.memref_slice %arg8[%dma_start3A_821, %dma_start3A_822] : memref<64x128xf32, #tpu.memory_space<vmem>> -> memref<32x128xf32, #tpu.memory_space<vmem>>
      %dma_start3A_824 = arith.constant 0 : i32
      %dma_start3A_825 = tpu.memref_slice %arg2[%mul3A_820, %dma_start3A_824] : memref<320000x128xf32, #tpu.memory_space<hbm>> -> memref<32x128xf32, #tpu.memory_space<hbm>>
      %dma_start3A_826 = arith.constant 0 : i32
      %dma_start3A_827 = arith.constant 0 : i32
      %dma_start3A_828 = tpu.memref_slice %arg8[%dma_start3A_826, %dma_start3A_827] : memref<64x128xf32, #tpu.memory_space<vmem>> -> memref<32x128xf32, #tpu.memory_space<vmem>>
      %dma_start3A_829 = arith.constant 0 : i32
      %dma_start3A_830 = tpu.memref_slice %arg2[%mul3A_820, %dma_start3A_829] : memref<320000x128xf32, #tpu.memory_space<hbm>> -> memref<32x128xf32, #tpu.memory_space<hbm>>
      tpu.enqueue_dma source(%dma_start3A_830 : memref<32x128xf32, #tpu.memory_space<hbm>>) target(%dma_start3A_828 : memref<32x128xf32, #tpu.memory_space<vmem>>) target_semaphore(%arg20 : memref<!tpu.dma_semaphore, #tpu.memory_space<semaphore_mem>>)
      %mul3A_831 = arith.constant 64 : i32
      %mul3A_832 = arith.muli %add3A_818, %mul3A_831 : i32
      %add3A_833 = arith.constant 32 : i32
      %add3A_834 = arith.addi %mul3A_832, %add3A_833 : i32
      %dma_start3A_835 = arith.constant 32 : i32
      %dma_start3A_836 = arith.constant 0 : i32
      %dma_start3A_837 = tpu.memref_slice %arg8[%dma_start3A_835, %dma_start3A_836] : memref<64x128xf32, #tpu.memory_space<vmem>> -> memref<32x128xf32, #tpu.memory_space<vmem>>
      %dma_start3A_838 = arith.constant 0 : i32
      %dma_start3A_839 = tpu.memref_slice %arg2[%add3A_834, %dma_start3A_838] : memref<320000x128xf32, #tpu.memory_space<hbm>> -> memref<32x128xf32, #tpu.memory_space<hbm>>
      %dma_start3A_840 = arith.constant 32 : i32
      %dma_start3A_841 = arith.constant 0 : i32
      %dma_start3A_842 = tpu.memref_slice %arg8[%dma_start3A_840, %dma_start3A_841] : memref<64x128xf32, #tpu.memory_space<vmem>> -> memref<32x128xf32, #tpu.memory_space<vmem>>
      %dma_start3A_843 = arith.constant 0 : i32
      %dma_start3A_844 = tpu.memref_slice %arg2[%add3A_834, %dma_start3A_843] : memref<320000x128xf32, #tpu.memory_space<hbm>> -> memref<32x128xf32, #tpu.memory_space<hbm>>
      tpu.enqueue_dma source(%dma_start3A_844 : memref<32x128xf32, #tpu.memory_space<hbm>>) target(%dma_start3A_842 : memref<32x128xf32, #tpu.memory_space<vmem>>) target_semaphore(%arg20 : memref<!tpu.dma_semaphore, #tpu.memory_space<semaphore_mem>>)
      %mul3A_845 = arith.constant 64 : i32
      %mul3A_846 = arith.muli %add3A_818, %mul3A_845 : i32
      %dma_start3A_847 = arith.constant 1 : i32
      %dma_start3A_848 = tpu.memref_slice %arg3[%dma_start3A_847, %mul3A_846] : memref<2x320000xi32, #tpu.memory_space<hbm>> -> memref<1x64xi32, #tpu.memory_space<hbm>>
      %dma_start3A_849 = tpu.memref_squeeze %dma_start3A_848 : memref<1x64xi32, #tpu.memory_space<hbm>> -> memref<64xi32, #tpu.memory_space<hbm>>
      %dma_start3A_850 = tpu.memref_slice %arg3[%dma_start3A_847, %mul3A_846] : memref<2x320000xi32, #tpu.memory_space<hbm>> -> memref<1x64xi32, #tpu.memory_space<hbm>>
      %dma_start3A_851 = tpu.memref_squeeze %dma_start3A_850 : memref<1x64xi32, #tpu.memory_space<hbm>> -> memref<64xi32, #tpu.memory_space<hbm>>
      tpu.enqueue_dma source(%dma_start3A_851 : memref<64xi32, #tpu.memory_space<hbm>>) target(%arg12 : memref<64xi32, #tpu.memory_space<vmem>>) target_semaphore(%arg24 : memref<!tpu.dma_semaphore, #tpu.memory_space<semaphore_mem>>)
      %add3A_852 = arith.constant 1 : i32
      %add3A_853 = arith.addi %mul3A_11, %add3A_852 : i32
      %mul3A_854 = arith.constant 4 : i32
      %mul3A_855 = arith.muli %mul3A_854, %scan3A_595 : i32
      %add3A_856 = arith.addi %add3A_853, %mul3A_855 : i32
      %add3A_857 = arith.constant 3 : i32
      %add3A_858 = arith.addi %add3A_856, %add3A_857 : i32
      %dma_wait3A_859 = arith.constant 0 : i32
      %dma_wait3A_860 = arith.constant 0 : i32
      %dma_wait3A_861 = tpu.memref_slice %arg6[%dma_wait3A_859, %dma_wait3A_860] : memref<64x128xf32, #tpu.memory_space<vmem>> -> memref<32x128xf32, #tpu.memory_space<vmem>>
      %dma_wait3A_862 = arith.constant 0 : i32
      %dma_wait3A_863 = arith.constant 0 : i32
      %dma_wait3A_864 = tpu.memref_slice %arg2[%dma_wait3A_862, %dma_wait3A_863] : memref<320000x128xf32, #tpu.memory_space<hbm>> -> memref<32x128xf32, #tpu.memory_space<hbm>>
      %dma_wait3A_865 = arith.constant 0 : i32
      %dma_wait3A_866 = arith.constant 0 : i32
      %dma_wait3A_867 = tpu.memref_slice %arg6[%dma_wait3A_865, %dma_wait3A_866] : memref<64x128xf32, #tpu.memory_space<vmem>> -> memref<32x128xf32, #tpu.memory_space<vmem>>
      %dma_wait3A_868 = arith.constant 0 : i32
      %dma_wait3A_869 = arith.constant 0 : i32
      %dma_wait3A_870 = tpu.memref_slice %arg2[%dma_wait3A_868, %dma_wait3A_869] : memref<320000x128xf32, #tpu.memory_space<hbm>> -> memref<32x128xf32, #tpu.memory_space<hbm>>
      tpu.wait_dma2 semaphore(%arg18 : memref<!tpu.dma_semaphore, #tpu.memory_space<semaphore_mem>>) src(%dma_wait3A_870 : memref<32x128xf32, #tpu.memory_space<hbm>>) dst(%dma_wait3A_867 : memref<32x128xf32, #tpu.memory_space<vmem>>)
      %dma_wait3A_871 = arith.constant 32 : i32
      %dma_wait3A_872 = arith.constant 0 : i32
      %dma_wait3A_873 = tpu.memref_slice %arg6[%dma_wait3A_871, %dma_wait3A_872] : memref<64x128xf32, #tpu.memory_space<vmem>> -> memref<32x128xf32, #tpu.memory_space<vmem>>
      %dma_wait3A_874 = arith.constant 0 : i32
      %dma_wait3A_875 = arith.constant 0 : i32
      %dma_wait3A_876 = tpu.memref_slice %arg2[%dma_wait3A_874, %dma_wait3A_875] : memref<320000x128xf32, #tpu.memory_space<hbm>> -> memref<32x128xf32, #tpu.memory_space<hbm>>
      %dma_wait3A_877 = arith.constant 32 : i32
      %dma_wait3A_878 = arith.constant 0 : i32
      %dma_wait3A_879 = tpu.memref_slice %arg6[%dma_wait3A_877, %dma_wait3A_878] : memref<64x128xf32, #tpu.memory_space<vmem>> -> memref<32x128xf32, #tpu.memory_space<vmem>>
      %dma_wait3A_880 = arith.constant 0 : i32
      %dma_wait3A_881 = arith.constant 0 : i32
      %dma_wait3A_882 = tpu.memref_slice %arg2[%dma_wait3A_880, %dma_wait3A_881] : memref<320000x128xf32, #tpu.memory_space<hbm>> -> memref<32x128xf32, #tpu.memory_space<hbm>>
      tpu.wait_dma2 semaphore(%arg18 : memref<!tpu.dma_semaphore, #tpu.memory_space<semaphore_mem>>) src(%dma_wait3A_882 : memref<32x128xf32, #tpu.memory_space<hbm>>) dst(%dma_wait3A_879 : memref<32x128xf32, #tpu.memory_space<vmem>>)
      %dma_wait3A_883 = arith.constant 1 : i32
      %dma_wait3A_884 = arith.constant 0 : i32
      %dma_wait3A_885 = tpu.memref_slice %arg3[%dma_wait3A_883, %dma_wait3A_884] : memref<2x320000xi32, #tpu.memory_space<hbm>> -> memref<1x64xi32, #tpu.memory_space<hbm>>
      %dma_wait3A_886 = tpu.memref_squeeze %dma_wait3A_885 : memref<1x64xi32, #tpu.memory_space<hbm>> -> memref<64xi32, #tpu.memory_space<hbm>>
      %dma_wait3A_887 = arith.constant 0 : i32
      %dma_wait3A_888 = tpu.memref_slice %arg3[%dma_wait3A_883, %dma_wait3A_887] : memref<2x320000xi32, #tpu.memory_space<hbm>> -> memref<1x64xi32, #tpu.memory_space<hbm>>
      %dma_wait3A_889 = tpu.memref_squeeze %dma_wait3A_888 : memref<1x64xi32, #tpu.memory_space<hbm>> -> memref<64xi32, #tpu.memory_space<hbm>>
      tpu.wait_dma2 semaphore(%arg22 : memref<!tpu.dma_semaphore, #tpu.memory_space<semaphore_mem>>) src(%dma_wait3A_889 : memref<64xi32, #tpu.memory_space<hbm>>) dst(%arg10 : memref<64xi32, #tpu.memory_space<vmem>>)
      %dma_start3A_890 = arith.constant 0 : i32
      %dma_start3A_891 = arith.constant 0 : i32
      %dma_start3A_892 = tpu.memref_slice %arg16[%dma_start3A_890, %dma_start3A_891] : memref<10000x128xf32, #tpu.memory_space<vmem_shared>> -> memref<10000x128xf32, #tpu.memory_space<vmem_shared>>
      tpu.enqueue_indirect_dma source(%arg6 : memref<64x128xf32, #tpu.memory_space<vmem>>) target(%dma_start3A_892 : memref<10000x128xf32, #tpu.memory_space<vmem_shared>>) offsets(%arg10 : memref<64xi32, #tpu.memory_space<vmem>>) semaphore(%arg26 : memref<!tpu.dma_semaphore, #tpu.memory_space<semaphore_mem>>) {add = true}
      %dma_start3A_893 = arith.constant 0 : i32
      %dma_start3A_894 = arith.constant 0 : i32
      %dma_start3A_895 = tpu.memref_slice %arg17[%dma_start3A_893, %dma_start3A_894] : memref<10000x16xf32, #tpu.memory_space<vmem_shared>> -> memref<10000x16xf32, #tpu.memory_space<vmem_shared>>
      tpu.enqueue_indirect_dma source(%arg14 : memref<64x16xf32, #tpu.memory_space<vmem>>) target(%dma_start3A_895 : memref<10000x16xf32, #tpu.memory_space<vmem_shared>>) offsets(%arg10 : memref<64xi32, #tpu.memory_space<vmem>>) semaphore(%arg30 : memref<!tpu.dma_semaphore, #tpu.memory_space<semaphore_mem>>) {add = true}
      %dma_wait3A_896 = arith.constant 0 : i32
      %dma_wait3A_897 = arith.constant 0 : i32
      %dma_wait3A_898 = tpu.memref_slice %arg16[%dma_wait3A_896, %dma_wait3A_897] : memref<10000x128xf32, #tpu.memory_space<vmem_shared>> -> memref<10000x128xf32, #tpu.memory_space<vmem_shared>>
      tpu.wait_indirect_dma semaphore(%arg29 : memref<!tpu.dma_semaphore, #tpu.memory_space<semaphore_mem>>) src(%arg9 : memref<64x128xf32, #tpu.memory_space<vmem>>) dst(%dma_wait3A_898 : memref<10000x128xf32, #tpu.memory_space<vmem_shared>>)
      %dma_wait3A_899 = arith.constant 0 : i32
      %dma_wait3A_900 = arith.constant 0 : i32
      %dma_wait3A_901 = tpu.memref_slice %arg17[%dma_wait3A_899, %dma_wait3A_900] : memref<10000x16xf32, #tpu.memory_space<vmem_shared>> -> memref<10000x16xf32, #tpu.memory_space<vmem_shared>>
      tpu.wait_indirect_dma semaphore(%arg33 : memref<!tpu.dma_semaphore, #tpu.memory_space<semaphore_mem>>) src(%arg14 : memref<64x16xf32, #tpu.memory_space<vmem>>) dst(%dma_wait3A_901 : memref<10000x16xf32, #tpu.memory_space<vmem_shared>>)
      %add3A_902 = arith.constant 3 : i32
      %add3A_903 = arith.addi %add3A_858, %add3A_902 : i32
      %mul3A_904 = arith.constant 64 : i32
      %mul3A_905 = arith.muli %add3A_903, %mul3A_904 : i32
      %dma_start3A_906 = arith.constant 0 : i32
      %dma_start3A_907 = arith.constant 0 : i32
      %dma_start3A_908 = tpu.memref_slice %arg9[%dma_start3A_906, %dma_start3A_907] : memref<64x128xf32, #tpu.memory_space<vmem>> -> memref<32x128xf32, #tpu.memory_space<vmem>>
      %dma_start3A_909 = arith.constant 0 : i32
      %dma_start3A_910 = tpu.memref_slice %arg2[%mul3A_905, %dma_start3A_909] : memref<320000x128xf32, #tpu.memory_space<hbm>> -> memref<32x128xf32, #tpu.memory_space<hbm>>
      %dma_start3A_911 = arith.constant 0 : i32
      %dma_start3A_912 = arith.constant 0 : i32
      %dma_start3A_913 = tpu.memref_slice %arg9[%dma_start3A_911, %dma_start3A_912] : memref<64x128xf32, #tpu.memory_space<vmem>> -> memref<32x128xf32, #tpu.memory_space<vmem>>
      %dma_start3A_914 = arith.constant 0 : i32
      %dma_start3A_915 = tpu.memref_slice %arg2[%mul3A_905, %dma_start3A_914] : memref<320000x128xf32, #tpu.memory_space<hbm>> -> memref<32x128xf32, #tpu.memory_space<hbm>>
      tpu.enqueue_dma source(%dma_start3A_915 : memref<32x128xf32, #tpu.memory_space<hbm>>) target(%dma_start3A_913 : memref<32x128xf32, #tpu.memory_space<vmem>>) target_semaphore(%arg21 : memref<!tpu.dma_semaphore, #tpu.memory_space<semaphore_mem>>)
      %mul3A_916 = arith.constant 64 : i32
      %mul3A_917 = arith.muli %add3A_903, %mul3A_916 : i32
      %add3A_918 = arith.constant 32 : i32
      %add3A_919 = arith.addi %mul3A_917, %add3A_918 : i32
      %dma_start3A_920 = arith.constant 32 : i32
      %dma_start3A_921 = arith.constant 0 : i32
      %dma_start3A_922 = tpu.memref_slice %arg9[%dma_start3A_920, %dma_start3A_921] : memref<64x128xf32, #tpu.memory_space<vmem>> -> memref<32x128xf32, #tpu.memory_space<vmem>>
      %dma_start3A_923 = arith.constant 0 : i32
      %dma_start3A_924 = tpu.memref_slice %arg2[%add3A_919, %dma_start3A_923] : memref<320000x128xf32, #tpu.memory_space<hbm>> -> memref<32x128xf32, #tpu.memory_space<hbm>>
      %dma_start3A_925 = arith.constant 32 : i32
      %dma_start3A_926 = arith.constant 0 : i32
      %dma_start3A_927 = tpu.memref_slice %arg9[%dma_start3A_925, %dma_start3A_926] : memref<64x128xf32, #tpu.memory_space<vmem>> -> memref<32x128xf32, #tpu.memory_space<vmem>>
      %dma_start3A_928 = arith.constant 0 : i32
      %dma_start3A_929 = tpu.memref_slice %arg2[%add3A_919, %dma_start3A_928] : memref<320000x128xf32, #tpu.memory_space<hbm>> -> memref<32x128xf32, #tpu.memory_space<hbm>>
      tpu.enqueue_dma source(%dma_start3A_929 : memref<32x128xf32, #tpu.memory_space<hbm>>) target(%dma_start3A_927 : memref<32x128xf32, #tpu.memory_space<vmem>>) target_semaphore(%arg21 : memref<!tpu.dma_semaphore, #tpu.memory_space<semaphore_mem>>)
      %mul3A_930 = arith.constant 64 : i32
      %mul3A_931 = arith.muli %add3A_903, %mul3A_930 : i32
      %dma_start3A_932 = arith.constant 1 : i32
      %dma_start3A_933 = tpu.memref_slice %arg3[%dma_start3A_932, %mul3A_931] : memref<2x320000xi32, #tpu.memory_space<hbm>> -> memref<1x64xi32, #tpu.memory_space<hbm>>
      %dma_start3A_934 = tpu.memref_squeeze %dma_start3A_933 : memref<1x64xi32, #tpu.memory_space<hbm>> -> memref<64xi32, #tpu.memory_space<hbm>>
      %dma_start3A_935 = tpu.memref_slice %arg3[%dma_start3A_932, %mul3A_931] : memref<2x320000xi32, #tpu.memory_space<hbm>> -> memref<1x64xi32, #tpu.memory_space<hbm>>
      %dma_start3A_936 = tpu.memref_squeeze %dma_start3A_935 : memref<1x64xi32, #tpu.memory_space<hbm>> -> memref<64xi32, #tpu.memory_space<hbm>>
      tpu.enqueue_dma source(%dma_start3A_936 : memref<64xi32, #tpu.memory_space<hbm>>) target(%arg13 : memref<64xi32, #tpu.memory_space<vmem>>) target_semaphore(%arg25 : memref<!tpu.dma_semaphore, #tpu.memory_space<semaphore_mem>>)
      %scan3A_937 = arith.constant 0 : i32
      scf.yield %scan3A_937 : i32
    }
    %scan3A_424 = arith.constant 38 : i32
    %dma_wait3A_425 = arith.constant 0 : i32
    %dma_wait3A_426 = arith.constant 0 : i32
    %dma_wait3A_427 = tpu.memref_slice %arg7[%dma_wait3A_425, %dma_wait3A_426] : memref<64x128xf32, #tpu.memory_space<vmem>> -> memref<32x128xf32, #tpu.memory_space<vmem>>
    %dma_wait3A_428 = arith.constant 0 : i32
    %dma_wait3A_429 = arith.constant 0 : i32
    %dma_wait3A_430 = tpu.memref_slice %arg2[%dma_wait3A_428, %dma_wait3A_429] : memref<320000x128xf32, #tpu.memory_space<hbm>> -> memref<32x128xf32, #tpu.memory_space<hbm>>
    %dma_wait3A_431 = arith.constant 0 : i32
    %dma_wait3A_432 = arith.constant 0 : i32
    %dma_wait3A_433 = tpu.memref_slice %arg7[%dma_wait3A_431, %dma_wait3A_432] : memref<64x128xf32, #tpu.memory_space<vmem>> -> memref<32x128xf32, #tpu.memory_space<vmem>>
    %dma_wait3A_434 = arith.constant 0 : i32
    %dma_wait3A_435 = arith.constant 0 : i32
    %dma_wait3A_436 = tpu.memref_slice %arg2[%dma_wait3A_434, %dma_wait3A_435] : memref<320000x128xf32, #tpu.memory_space<hbm>> -> memref<32x128xf32, #tpu.memory_space<hbm>>
    tpu.wait_dma2 semaphore(%arg19 : memref<!tpu.dma_semaphore, #tpu.memory_space<semaphore_mem>>) src(%dma_wait3A_436 : memref<32x128xf32, #tpu.memory_space<hbm>>) dst(%dma_wait3A_433 : memref<32x128xf32, #tpu.memory_space<vmem>>)
    %dma_wait3A_437 = arith.constant 32 : i32
    %dma_wait3A_438 = arith.constant 0 : i32
    %dma_wait3A_439 = tpu.memref_slice %arg7[%dma_wait3A_437, %dma_wait3A_438] : memref<64x128xf32, #tpu.memory_space<vmem>> -> memref<32x128xf32, #tpu.memory_space<vmem>>
    %dma_wait3A_440 = arith.constant 0 : i32
    %dma_wait3A_441 = arith.constant 0 : i32
    %dma_wait3A_442 = tpu.memref_slice %arg2[%dma_wait3A_440, %dma_wait3A_441] : memref<320000x128xf32, #tpu.memory_space<hbm>> -> memref<32x128xf32, #tpu.memory_space<hbm>>
    %dma_wait3A_443 = arith.constant 32 : i32
    %dma_wait3A_444 = arith.constant 0 : i32
    %dma_wait3A_445 = tpu.memref_slice %arg7[%dma_wait3A_443, %dma_wait3A_444] : memref<64x128xf32, #tpu.memory_space<vmem>> -> memref<32x128xf32, #tpu.memory_space<vmem>>
    %dma_wait3A_446 = arith.constant 0 : i32
    %dma_wait3A_447 = arith.constant 0 : i32
    %dma_wait3A_448 = tpu.memref_slice %arg2[%dma_wait3A_446, %dma_wait3A_447] : memref<320000x128xf32, #tpu.memory_space<hbm>> -> memref<32x128xf32, #tpu.memory_space<hbm>>
    tpu.wait_dma2 semaphore(%arg19 : memref<!tpu.dma_semaphore, #tpu.memory_space<semaphore_mem>>) src(%dma_wait3A_448 : memref<32x128xf32, #tpu.memory_space<hbm>>) dst(%dma_wait3A_445 : memref<32x128xf32, #tpu.memory_space<vmem>>)
    %dma_wait3A_449 = arith.constant 1 : i32
    %dma_wait3A_450 = arith.constant 0 : i32
    %dma_wait3A_451 = tpu.memref_slice %arg3[%dma_wait3A_449, %dma_wait3A_450] : memref<2x320000xi32, #tpu.memory_space<hbm>> -> memref<1x64xi32, #tpu.memory_space<hbm>>
    %dma_wait3A_452 = tpu.memref_squeeze %dma_wait3A_451 : memref<1x64xi32, #tpu.memory_space<hbm>> -> memref<64xi32, #tpu.memory_space<hbm>>
    %dma_wait3A_453 = arith.constant 0 : i32
    %dma_wait3A_454 = tpu.memref_slice %arg3[%dma_wait3A_449, %dma_wait3A_453] : memref<2x320000xi32, #tpu.memory_space<hbm>> -> memref<1x64xi32, #tpu.memory_space<hbm>>
    %dma_wait3A_455 = tpu.memref_squeeze %dma_wait3A_454 : memref<1x64xi32, #tpu.memory_space<hbm>> -> memref<64xi32, #tpu.memory_space<hbm>>
    tpu.wait_dma2 semaphore(%arg23 : memref<!tpu.dma_semaphore, #tpu.memory_space<semaphore_mem>>) src(%dma_wait3A_455 : memref<64xi32, #tpu.memory_space<hbm>>) dst(%arg11 : memref<64xi32, #tpu.memory_space<vmem>>)
    %dma_start3A_456 = arith.constant 0 : i32
    %dma_start3A_457 = arith.constant 0 : i32
    %dma_start3A_458 = tpu.memref_slice %arg16[%dma_start3A_456, %dma_start3A_457] : memref<10000x128xf32, #tpu.memory_space<vmem_shared>> -> memref<10000x128xf32, #tpu.memory_space<vmem_shared>>
    tpu.enqueue_indirect_dma source(%arg7 : memref<64x128xf32, #tpu.memory_space<vmem>>) target(%dma_start3A_458 : memref<10000x128xf32, #tpu.memory_space<vmem_shared>>) offsets(%arg11 : memref<64xi32, #tpu.memory_space<vmem>>) semaphore(%arg27 : memref<!tpu.dma_semaphore, #tpu.memory_space<semaphore_mem>>) {add = true}
    %dma_start3A_459 = arith.constant 0 : i32
    %dma_start3A_460 = arith.constant 0 : i32
    %dma_start3A_461 = tpu.memref_slice %arg17[%dma_start3A_459, %dma_start3A_460] : memref<10000x16xf32, #tpu.memory_space<vmem_shared>> -> memref<10000x16xf32, #tpu.memory_space<vmem_shared>>
    tpu.enqueue_indirect_dma source(%arg14 : memref<64x16xf32, #tpu.memory_space<vmem>>) target(%dma_start3A_461 : memref<10000x16xf32, #tpu.memory_space<vmem_shared>>) offsets(%arg11 : memref<64xi32, #tpu.memory_space<vmem>>) semaphore(%arg31 : memref<!tpu.dma_semaphore, #tpu.memory_space<semaphore_mem>>) {add = true}
    %dma_wait3A_462 = arith.constant 0 : i32
    %dma_wait3A_463 = arith.constant 0 : i32
    %dma_wait3A_464 = tpu.memref_slice %arg16[%dma_wait3A_462, %dma_wait3A_463] : memref<10000x128xf32, #tpu.memory_space<vmem_shared>> -> memref<10000x128xf32, #tpu.memory_space<vmem_shared>>
    tpu.wait_indirect_dma semaphore(%arg26 : memref<!tpu.dma_semaphore, #tpu.memory_space<semaphore_mem>>) src(%arg6 : memref<64x128xf32, #tpu.memory_space<vmem>>) dst(%dma_wait3A_464 : memref<10000x128xf32, #tpu.memory_space<vmem_shared>>)
    %dma_wait3A_465 = arith.constant 0 : i32
    %dma_wait3A_466 = arith.constant 0 : i32
    %dma_wait3A_467 = tpu.memref_slice %arg17[%dma_wait3A_465, %dma_wait3A_466] : memref<10000x16xf32, #tpu.memory_space<vmem_shared>> -> memref<10000x16xf32, #tpu.memory_space<vmem_shared>>
    tpu.wait_indirect_dma semaphore(%arg30 : memref<!tpu.dma_semaphore, #tpu.memory_space<semaphore_mem>>) src(%arg14 : memref<64x16xf32, #tpu.memory_space<vmem>>) dst(%dma_wait3A_467 : memref<10000x16xf32, #tpu.memory_space<vmem_shared>>)
    %dma_wait3A_468 = arith.constant 0 : i32
    %dma_wait3A_469 = arith.constant 0 : i32
    %dma_wait3A_470 = tpu.memref_slice %arg8[%dma_wait3A_468, %dma_wait3A_469] : memref<64x128xf32, #tpu.memory_space<vmem>> -> memref<32x128xf32, #tpu.memory_space<vmem>>
    %dma_wait3A_471 = arith.constant 0 : i32
    %dma_wait3A_472 = arith.constant 0 : i32
    %dma_wait3A_473 = tpu.memref_slice %arg2[%dma_wait3A_471, %dma_wait3A_472] : memref<320000x128xf32, #tpu.memory_space<hbm>> -> memref<32x128xf32, #tpu.memory_space<hbm>>
    %dma_wait3A_474 = arith.constant 0 : i32
    %dma_wait3A_475 = arith.constant 0 : i32
    %dma_wait3A_476 = tpu.memref_slice %arg8[%dma_wait3A_474, %dma_wait3A_475] : memref<64x128xf32, #tpu.memory_space<vmem>> -> memref<32x128xf32, #tpu.memory_space<vmem>>
    %dma_wait3A_477 = arith.constant 0 : i32
    %dma_wait3A_478 = arith.constant 0 : i32
    %dma_wait3A_479 = tpu.memref_slice %arg2[%dma_wait3A_477, %dma_wait3A_478] : memref<320000x128xf32, #tpu.memory_space<hbm>> -> memref<32x128xf32, #tpu.memory_space<hbm>>
    tpu.wait_dma2 semaphore(%arg20 : memref<!tpu.dma_semaphore, #tpu.memory_space<semaphore_mem>>) src(%dma_wait3A_479 : memref<32x128xf32, #tpu.memory_space<hbm>>) dst(%dma_wait3A_476 : memref<32x128xf32, #tpu.memory_space<vmem>>)
    %dma_wait3A_480 = arith.constant 32 : i32
    %dma_wait3A_481 = arith.constant 0 : i32
    %dma_wait3A_482 = tpu.memref_slice %arg8[%dma_wait3A_480, %dma_wait3A_481] : memref<64x128xf32, #tpu.memory_space<vmem>> -> memref<32x128xf32, #tpu.memory_space<vmem>>
    %dma_wait3A_483 = arith.constant 0 : i32
    %dma_wait3A_484 = arith.constant 0 : i32
    %dma_wait3A_485 = tpu.memref_slice %arg2[%dma_wait3A_483, %dma_wait3A_484] : memref<320000x128xf32, #tpu.memory_space<hbm>> -> memref<32x128xf32, #tpu.memory_space<hbm>>
    %dma_wait3A_486 = arith.constant 32 : i32
    %dma_wait3A_487 = arith.constant 0 : i32
    %dma_wait3A_488 = tpu.memref_slice %arg8[%dma_wait3A_486, %dma_wait3A_487] : memref<64x128xf32, #tpu.memory_space<vmem>> -> memref<32x128xf32, #tpu.memory_space<vmem>>
    %dma_wait3A_489 = arith.constant 0 : i32
    %dma_wait3A_490 = arith.constant 0 : i32
    %dma_wait3A_491 = tpu.memref_slice %arg2[%dma_wait3A_489, %dma_wait3A_490] : memref<320000x128xf32, #tpu.memory_space<hbm>> -> memref<32x128xf32, #tpu.memory_space<hbm>>
    tpu.wait_dma2 semaphore(%arg20 : memref<!tpu.dma_semaphore, #tpu.memory_space<semaphore_mem>>) src(%dma_wait3A_491 : memref<32x128xf32, #tpu.memory_space<hbm>>) dst(%dma_wait3A_488 : memref<32x128xf32, #tpu.memory_space<vmem>>)
    %dma_wait3A_492 = arith.constant 1 : i32
    %dma_wait3A_493 = arith.constant 0 : i32
    %dma_wait3A_494 = tpu.memref_slice %arg3[%dma_wait3A_492, %dma_wait3A_493] : memref<2x320000xi32, #tpu.memory_space<hbm>> -> memref<1x64xi32, #tpu.memory_space<hbm>>
    %dma_wait3A_495 = tpu.memref_squeeze %dma_wait3A_494 : memref<1x64xi32, #tpu.memory_space<hbm>> -> memref<64xi32, #tpu.memory_space<hbm>>
    %dma_wait3A_496 = arith.constant 0 : i32
    %dma_wait3A_497 = tpu.memref_slice %arg3[%dma_wait3A_492, %dma_wait3A_496] : memref<2x320000xi32, #tpu.memory_space<hbm>> -> memref<1x64xi32, #tpu.memory_space<hbm>>
    %dma_wait3A_498 = tpu.memref_squeeze %dma_wait3A_497 : memref<1x64xi32, #tpu.memory_space<hbm>> -> memref<64xi32, #tpu.memory_space<hbm>>
    tpu.wait_dma2 semaphore(%arg24 : memref<!tpu.dma_semaphore, #tpu.memory_space<semaphore_mem>>) src(%dma_wait3A_498 : memref<64xi32, #tpu.memory_space<hbm>>) dst(%arg12 : memref<64xi32, #tpu.memory_space<vmem>>)
    %dma_start3A_499 = arith.constant 0 : i32
    %dma_start3A_500 = arith.constant 0 : i32
    %dma_start3A_501 = tpu.memref_slice %arg16[%dma_start3A_499, %dma_start3A_500] : memref<10000x128xf32, #tpu.memory_space<vmem_shared>> -> memref<10000x128xf32, #tpu.memory_space<vmem_shared>>
    tpu.enqueue_indirect_dma source(%arg8 : memref<64x128xf32, #tpu.memory_space<vmem>>) target(%dma_start3A_501 : memref<10000x128xf32, #tpu.memory_space<vmem_shared>>) offsets(%arg12 : memref<64xi32, #tpu.memory_space<vmem>>) semaphore(%arg28 : memref<!tpu.dma_semaphore, #tpu.memory_space<semaphore_mem>>) {add = true}
    %dma_start3A_502 = arith.constant 0 : i32
    %dma_start3A_503 = arith.constant 0 : i32
    %dma_start3A_504 = tpu.memref_slice %arg17[%dma_start3A_502, %dma_start3A_503] : memref<10000x16xf32, #tpu.memory_space<vmem_shared>> -> memref<10000x16xf32, #tpu.memory_space<vmem_shared>>
    tpu.enqueue_indirect_dma source(%arg14 : memref<64x16xf32, #tpu.memory_space<vmem>>) target(%dma_start3A_504 : memref<10000x16xf32, #tpu.memory_space<vmem_shared>>) offsets(%arg12 : memref<64xi32, #tpu.memory_space<vmem>>) semaphore(%arg32 : memref<!tpu.dma_semaphore, #tpu.memory_space<semaphore_mem>>) {add = true}
    %dma_wait3A_505 = arith.constant 0 : i32
    %dma_wait3A_506 = arith.constant 0 : i32
    %dma_wait3A_507 = tpu.memref_slice %arg16[%dma_wait3A_505, %dma_wait3A_506] : memref<10000x128xf32, #tpu.memory_space<vmem_shared>> -> memref<10000x128xf32, #tpu.memory_space<vmem_shared>>
    tpu.wait_indirect_dma semaphore(%arg27 : memref<!tpu.dma_semaphore, #tpu.memory_space<semaphore_mem>>) src(%arg7 : memref<64x128xf32, #tpu.memory_space<vmem>>) dst(%dma_wait3A_507 : memref<10000x128xf32, #tpu.memory_space<vmem_shared>>)
    %dma_wait3A_508 = arith.constant 0 : i32
    %dma_wait3A_509 = arith.constant 0 : i32
    %dma_wait3A_510 = tpu.memref_slice %arg17[%dma_wait3A_508, %dma_wait3A_509] : memref<10000x16xf32, #tpu.memory_space<vmem_shared>> -> memref<10000x16xf32, #tpu.memory_space<vmem_shared>>
    tpu.wait_indirect_dma semaphore(%arg31 : memref<!tpu.dma_semaphore, #tpu.memory_space<semaphore_mem>>) src(%arg14 : memref<64x16xf32, #tpu.memory_space<vmem>>) dst(%dma_wait3A_510 : memref<10000x16xf32, #tpu.memory_space<vmem_shared>>)
    %dma_wait3A_511 = arith.constant 0 : i32
    %dma_wait3A_512 = arith.constant 0 : i32
    %dma_wait3A_513 = tpu.memref_slice %arg9[%dma_wait3A_511, %dma_wait3A_512] : memref<64x128xf32, #tpu.memory_space<vmem>> -> memref<32x128xf32, #tpu.memory_space<vmem>>
    %dma_wait3A_514 = arith.constant 0 : i32
    %dma_wait3A_515 = arith.constant 0 : i32
    %dma_wait3A_516 = tpu.memref_slice %arg2[%dma_wait3A_514, %dma_wait3A_515] : memref<320000x128xf32, #tpu.memory_space<hbm>> -> memref<32x128xf32, #tpu.memory_space<hbm>>
    %dma_wait3A_517 = arith.constant 0 : i32
    %dma_wait3A_518 = arith.constant 0 : i32
    %dma_wait3A_519 = tpu.memref_slice %arg9[%dma_wait3A_517, %dma_wait3A_518] : memref<64x128xf32, #tpu.memory_space<vmem>> -> memref<32x128xf32, #tpu.memory_space<vmem>>
    %dma_wait3A_520 = arith.constant 0 : i32
    %dma_wait3A_521 = arith.constant 0 : i32
    %dma_wait3A_522 = tpu.memref_slice %arg2[%dma_wait3A_520, %dma_wait3A_521] : memref<320000x128xf32, #tpu.memory_space<hbm>> -> memref<32x128xf32, #tpu.memory_space<hbm>>
    tpu.wait_dma2 semaphore(%arg21 : memref<!tpu.dma_semaphore, #tpu.memory_space<semaphore_mem>>) src(%dma_wait3A_522 : memref<32x128xf32, #tpu.memory_space<hbm>>) dst(%dma_wait3A_519 : memref<32x128xf32, #tpu.memory_space<vmem>>)
    %dma_wait3A_523 = arith.constant 32 : i32
    %dma_wait3A_524 = arith.constant 0 : i32
    %dma_wait3A_525 = tpu.memref_slice %arg9[%dma_wait3A_523, %dma_wait3A_524] : memref<64x128xf32, #tpu.memory_space<vmem>> -> memref<32x128xf32, #tpu.memory_space<vmem>>
    %dma_wait3A_526 = arith.constant 0 : i32
    %dma_wait3A_527 = arith.constant 0 : i32
    %dma_wait3A_528 = tpu.memref_slice %arg2[%dma_wait3A_526, %dma_wait3A_527] : memref<320000x128xf32, #tpu.memory_space<hbm>> -> memref<32x128xf32, #tpu.memory_space<hbm>>
    %dma_wait3A_529 = arith.constant 32 : i32
    %dma_wait3A_530 = arith.constant 0 : i32
    %dma_wait3A_531 = tpu.memref_slice %arg9[%dma_wait3A_529, %dma_wait3A_530] : memref<64x128xf32, #tpu.memory_space<vmem>> -> memref<32x128xf32, #tpu.memory_space<vmem>>
    %dma_wait3A_532 = arith.constant 0 : i32
    %dma_wait3A_533 = arith.constant 0 : i32
    %dma_wait3A_534 = tpu.memref_slice %arg2[%dma_wait3A_532, %dma_wait3A_533] : memref<320000x128xf32, #tpu.memory_space<hbm>> -> memref<32x128xf32, #tpu.memory_space<hbm>>
    tpu.wait_dma2 semaphore(%arg21 : memref<!tpu.dma_semaphore, #tpu.memory_space<semaphore_mem>>) src(%dma_wait3A_534 : memref<32x128xf32, #tpu.memory_space<hbm>>) dst(%dma_wait3A_531 : memref<32x128xf32, #tpu.memory_space<vmem>>)
    %dma_wait3A_535 = arith.constant 1 : i32
    %dma_wait3A_536 = arith.constant 0 : i32
    %dma_wait3A_537 = tpu.memref_slice %arg3[%dma_wait3A_535, %dma_wait3A_536] : memref<2x320000xi32, #tpu.memory_space<hbm>> -> memref<1x64xi32, #tpu.memory_space<hbm>>
    %dma_wait3A_538 = tpu.memref_squeeze %dma_wait3A_537 : memref<1x64xi32, #tpu.memory_space<hbm>> -> memref<64xi32, #tpu.memory_space<hbm>>
    %dma_wait3A_539 = arith.constant 0 : i32
    %dma_wait3A_540 = tpu.memref_slice %arg3[%dma_wait3A_535, %dma_wait3A_539] : memref<2x320000xi32, #tpu.memory_space<hbm>> -> memref<1x64xi32, #tpu.memory_space<hbm>>
    %dma_wait3A_541 = tpu.memref_squeeze %dma_wait3A_540 : memref<1x64xi32, #tpu.memory_space<hbm>> -> memref<64xi32, #tpu.memory_space<hbm>>
    tpu.wait_dma2 semaphore(%arg25 : memref<!tpu.dma_semaphore, #tpu.memory_space<semaphore_mem>>) src(%dma_wait3A_541 : memref<64xi32, #tpu.memory_space<hbm>>) dst(%arg13 : memref<64xi32, #tpu.memory_space<vmem>>)
    %dma_start3A_542 = arith.constant 0 : i32
    %dma_start3A_543 = arith.constant 0 : i32
    %dma_start3A_544 = tpu.memref_slice %arg16[%dma_start3A_542, %dma_start3A_543] : memref<10000x128xf32, #tpu.memory_space<vmem_shared>> -> memref<10000x128xf32, #tpu.memory_space<vmem_shared>>
    tpu.enqueue_indirect_dma source(%arg9 : memref<64x128xf32, #tpu.memory_space<vmem>>) target(%dma_start3A_544 : memref<10000x128xf32, #tpu.memory_space<vmem_shared>>) offsets(%arg13 : memref<64xi32, #tpu.memory_space<vmem>>) semaphore(%arg29 : memref<!tpu.dma_semaphore, #tpu.memory_space<semaphore_mem>>) {add = true}
    %dma_start3A_545 = arith.constant 0 : i32
    %dma_start3A_546 = arith.constant 0 : i32
    %dma_start3A_547 = tpu.memref_slice %arg17[%dma_start3A_545, %dma_start3A_546] : memref<10000x16xf32, #tpu.memory_space<vmem_shared>> -> memref<10000x16xf32, #tpu.memory_space<vmem_shared>>
    tpu.enqueue_indirect_dma source(%arg14 : memref<64x16xf32, #tpu.memory_space<vmem>>) target(%dma_start3A_547 : memref<10000x16xf32, #tpu.memory_space<vmem_shared>>) offsets(%arg13 : memref<64xi32, #tpu.memory_space<vmem>>) semaphore(%arg33 : memref<!tpu.dma_semaphore, #tpu.memory_space<semaphore_mem>>) {add = true}
    %dma_wait3A_548 = arith.constant 0 : i32
    %dma_wait3A_549 = arith.constant 0 : i32
    %dma_wait3A_550 = tpu.memref_slice %arg16[%dma_wait3A_548, %dma_wait3A_549] : memref<10000x128xf32, #tpu.memory_space<vmem_shared>> -> memref<10000x128xf32, #tpu.memory_space<vmem_shared>>
    tpu.wait_indirect_dma semaphore(%arg28 : memref<!tpu.dma_semaphore, #tpu.memory_space<semaphore_mem>>) src(%arg8 : memref<64x128xf32, #tpu.memory_space<vmem>>) dst(%dma_wait3A_550 : memref<10000x128xf32, #tpu.memory_space<vmem_shared>>)
    %dma_wait3A_551 = arith.constant 0 : i32
    %dma_wait3A_552 = arith.constant 0 : i32
    %dma_wait3A_553 = tpu.memref_slice %arg17[%dma_wait3A_551, %dma_wait3A_552] : memref<10000x16xf32, #tpu.memory_space<vmem_shared>> -> memref<10000x16xf32, #tpu.memory_space<vmem_shared>>
    tpu.wait_indirect_dma semaphore(%arg32 : memref<!tpu.dma_semaphore, #tpu.memory_space<semaphore_mem>>) src(%arg14 : memref<64x16xf32, #tpu.memory_space<vmem>>) dst(%dma_wait3A_553 : memref<10000x16xf32, #tpu.memory_space<vmem_shared>>)
    %dma_wait3A_554 = arith.constant 0 : i32
    %dma_wait3A_555 = arith.constant 0 : i32
    %dma_wait3A_556 = tpu.memref_slice %arg16[%dma_wait3A_554, %dma_wait3A_555] : memref<10000x128xf32, #tpu.memory_space<vmem_shared>> -> memref<10000x128xf32, #tpu.memory_space<vmem_shared>>
    tpu.wait_indirect_dma semaphore(%arg29 : memref<!tpu.dma_semaphore, #tpu.memory_space<semaphore_mem>>) src(%arg9 : memref<64x128xf32, #tpu.memory_space<vmem>>) dst(%dma_wait3A_556 : memref<10000x128xf32, #tpu.memory_space<vmem_shared>>)
    %dma_wait3A_557 = arith.constant 0 : i32
    %dma_wait3A_558 = arith.constant 0 : i32
    %dma_wait3A_559 = tpu.memref_slice %arg17[%dma_wait3A_557, %dma_wait3A_558] : memref<10000x16xf32, #tpu.memory_space<vmem_shared>> -> memref<10000x16xf32, #tpu.memory_space<vmem_shared>>
    tpu.wait_indirect_dma semaphore(%arg33 : memref<!tpu.dma_semaphore, #tpu.memory_space<semaphore_mem>>) src(%arg14 : memref<64x16xf32, #tpu.memory_space<vmem>>) dst(%dma_wait3A_559 : memref<10000x16xf32, #tpu.memory_space<vmem_shared>>)
    %lt3A = arith.constant 8 : i32
    %lt3A_560 = arith.cmpi slt, %add3A, %lt3A : i32
    %convert_element_type3A_561 = arith.extui %lt3A_560 : i1 to i32
    %cond3A_562 = arith.constant 0 : i32
    %cond3A_563 = arith.cmpi ne, %convert_element_type3A_561, %cond3A_562 : i32
    scf.if %cond3A_563 {
      %add3A_595 = arith.constant 4992 : i32
      %add3A_596 = arith.addi %add3A_595, %add3A : i32
      %mul3A_597 = arith.constant 64 : i32
      %mul3A_598 = arith.muli %add3A_596, %mul3A_597 : i32
      "tpu.region"() ({
        %run_scoped3A_601 = tpu.sem_alloc : memref<!tpu.dma_semaphore, #tpu.memory_space<semaphore_mem>>
        %dma_start3A_602 = arith.constant 0 : i32
        %dma_start3A_603 = tpu.memref_slice %arg2[%mul3A_598, %dma_start3A_602] : memref<320000x128xf32, #tpu.memory_space<hbm>> -> memref<64x128xf32, #tpu.memory_space<hbm>>
        %dma_start3A_604 = arith.constant 0 : i32
        %dma_start3A_605 = tpu.memref_slice %arg2[%mul3A_598, %dma_start3A_604] : memref<320000x128xf32, #tpu.memory_space<hbm>> -> memref<64x128xf32, #tpu.memory_space<hbm>>
        tpu.enqueue_dma source(%dma_start3A_605 : memref<64x128xf32, #tpu.memory_space<hbm>>) target(%arg6 : memref<64x128xf32, #tpu.memory_space<vmem>>) target_semaphore(%run_scoped3A_601 : memref<!tpu.dma_semaphore, #tpu.memory_space<semaphore_mem>>)
        %dma_wait3A_606 = arith.constant 0 : i32
        %dma_wait3A_607 = tpu.memref_slice %arg2[%mul3A_598, %dma_wait3A_606] : memref<320000x128xf32, #tpu.memory_space<hbm>> -> memref<64x128xf32, #tpu.memory_space<hbm>>
        %dma_wait3A_608 = arith.constant 0 : i32
        %dma_wait3A_609 = tpu.memref_slice %arg2[%mul3A_598, %dma_wait3A_608] : memref<320000x128xf32, #tpu.memory_space<hbm>> -> memref<64x128xf32, #tpu.memory_space<hbm>>
        tpu.wait_dma2 semaphore(%run_scoped3A_601 : memref<!tpu.dma_semaphore, #tpu.memory_space<semaphore_mem>>) src(%dma_wait3A_609 : memref<64x128xf32, #tpu.memory_space<hbm>>) dst(%arg6 : memref<64x128xf32, #tpu.memory_space<vmem>>)
        tpu.yield
      }) : () -> ()
      %mul3A_599 = arith.constant 64 : i32
      %mul3A_600 = arith.muli %add3A_596, %mul3A_599 : i32
      %run_scoped3A = arith.constant 1 : i32
      "tpu.region"() ({
        %run_scoped3A_601 = tpu.sem_alloc : memref<!tpu.dma_semaphore, #tpu.memory_space<semaphore_mem>>
        %dma_start3A_602 = tpu.memref_slice %arg3[%run_scoped3A, %mul3A_600] : memref<2x320000xi32, #tpu.memory_space<hbm>> -> memref<1x64xi32, #tpu.memory_space<hbm>>
        %dma_start3A_603 = tpu.memref_squeeze %dma_start3A_602 : memref<1x64xi32, #tpu.memory_space<hbm>> -> memref<64xi32, #tpu.memory_space<hbm>>
        %dma_start3A_604 = tpu.memref_slice %arg3[%run_scoped3A, %mul3A_600] : memref<2x320000xi32, #tpu.memory_space<hbm>> -> memref<1x64xi32, #tpu.memory_space<hbm>>
        %dma_start3A_605 = tpu.memref_squeeze %dma_start3A_604 : memref<1x64xi32, #tpu.memory_space<hbm>> -> memref<64xi32, #tpu.memory_space<hbm>>
        tpu.enqueue_dma source(%dma_start3A_605 : memref<64xi32, #tpu.memory_space<hbm>>) target(%arg10 : memref<64xi32, #tpu.memory_space<vmem>>) target_semaphore(%run_scoped3A_601 : memref<!tpu.dma_semaphore, #tpu.memory_space<semaphore_mem>>)
        %dma_wait3A_606 = tpu.memref_slice %arg3[%run_scoped3A, %mul3A_600] : memref<2x320000xi32, #tpu.memory_space<hbm>> -> memref<1x64xi32, #tpu.memory_space<hbm>>
        %dma_wait3A_607 = tpu.memref_squeeze %dma_wait3A_606 : memref<1x64xi32, #tpu.memory_space<hbm>> -> memref<64xi32, #tpu.memory_space<hbm>>
        %dma_wait3A_608 = tpu.memref_slice %arg3[%run_scoped3A, %mul3A_600] : memref<2x320000xi32, #tpu.memory_space<hbm>> -> memref<1x64xi32, #tpu.memory_space<hbm>>
        %dma_wait3A_609 = tpu.memref_squeeze %dma_wait3A_608 : memref<1x64xi32, #tpu.memory_space<hbm>> -> memref<64xi32, #tpu.memory_space<hbm>>
        tpu.wait_dma2 semaphore(%run_scoped3A_601 : memref<!tpu.dma_semaphore, #tpu.memory_space<semaphore_mem>>) src(%dma_wait3A_609 : memref<64xi32, #tpu.memory_space<hbm>>) dst(%arg10 : memref<64xi32, #tpu.memory_space<vmem>>)
        tpu.yield
      }) : () -> ()
      "tpu.region"() ({
        %run_scoped3A_601 = tpu.sem_alloc : memref<!tpu.dma_semaphore, #tpu.memory_space<semaphore_mem>>
        %dma_start3A_602 = arith.constant 0 : i32
        %dma_start3A_603 = arith.constant 0 : i32
        %dma_start3A_604 = tpu.memref_slice %arg16[%dma_start3A_602, %dma_start3A_603] : memref<10000x128xf32, #tpu.memory_space<vmem_shared>> -> memref<10000x128xf32, #tpu.memory_space<vmem_shared>>
        tpu.enqueue_indirect_dma source(%arg6 : memref<64x128xf32, #tpu.memory_space<vmem>>) target(%dma_start3A_604 : memref<10000x128xf32, #tpu.memory_space<vmem_shared>>) offsets(%arg10 : memref<64xi32, #tpu.memory_space<vmem>>) semaphore(%run_scoped3A_601 : memref<!tpu.dma_semaphore, #tpu.memory_space<semaphore_mem>>) {add = true}
        %dma_wait3A_605 = arith.constant 0 : i32
        %dma_wait3A_606 = arith.constant 0 : i32
        %dma_wait3A_607 = tpu.memref_slice %arg16[%dma_wait3A_605, %dma_wait3A_606] : memref<10000x128xf32, #tpu.memory_space<vmem_shared>> -> memref<10000x128xf32, #tpu.memory_space<vmem_shared>>
        tpu.wait_indirect_dma semaphore(%run_scoped3A_601 : memref<!tpu.dma_semaphore, #tpu.memory_space<semaphore_mem>>) src(%arg6 : memref<64x128xf32, #tpu.memory_space<vmem>>) dst(%dma_wait3A_607 : memref<10000x128xf32, #tpu.memory_space<vmem_shared>>)
        tpu.yield
      }) : () -> ()
      "tpu.region"() ({
        %run_scoped3A_601 = tpu.sem_alloc : memref<!tpu.dma_semaphore, #tpu.memory_space<semaphore_mem>>
        %dma_start3A_602 = arith.constant 0 : i32
        %dma_start3A_603 = arith.constant 0 : i32
        %dma_start3A_604 = tpu.memref_slice %arg17[%dma_start3A_602, %dma_start3A_603] : memref<10000x16xf32, #tpu.memory_space<vmem_shared>> -> memref<10000x16xf32, #tpu.memory_space<vmem_shared>>
        tpu.enqueue_indirect_dma source(%arg14 : memref<64x16xf32, #tpu.memory_space<vmem>>) target(%dma_start3A_604 : memref<10000x16xf32, #tpu.memory_space<vmem_shared>>) offsets(%arg10 : memref<64xi32, #tpu.memory_space<vmem>>) semaphore(%run_scoped3A_601 : memref<!tpu.dma_semaphore, #tpu.memory_space<semaphore_mem>>) {add = true}
        %dma_wait3A_605 = arith.constant 0 : i32
        %dma_wait3A_606 = arith.constant 0 : i32
        %dma_wait3A_607 = tpu.memref_slice %arg17[%dma_wait3A_605, %dma_wait3A_606] : memref<10000x16xf32, #tpu.memory_space<vmem_shared>> -> memref<10000x16xf32, #tpu.memory_space<vmem_shared>>
        tpu.wait_indirect_dma semaphore(%run_scoped3A_601 : memref<!tpu.dma_semaphore, #tpu.memory_space<semaphore_mem>>) src(%arg14 : memref<64x16xf32, #tpu.memory_space<vmem>>) dst(%dma_wait3A_607 : memref<10000x16xf32, #tpu.memory_space<vmem_shared>>)
        tpu.yield
      }) : () -> ()
    } else {
    }
    %barrier3A_564 = arith.constant 0 : index
    tpu.barrier barrier_id(%barrier3A_564)
    %dma_start3A_565 = arith.constant 0 : i32
    %dma_start3A_566 = tpu.memref_slice %arg4[%arg0, %mul3A_117, %dma_start3A_565] : memref<2x10000x128xf32, #tpu.memory_space<hbm>> -> memref<1x624x128xf32, #tpu.memory_space<hbm>>
    %dma_start3A_567 = tpu.memref_squeeze %dma_start3A_566 : memref<1x624x128xf32, #tpu.memory_space<hbm>> -> memref<624x128xf32, #tpu.memory_space<hbm>>
    %dma_start3A_568 = arith.constant 0 : i32
    %dma_start3A_569 = tpu.memref_slice %arg16[%mul3A_117, %dma_start3A_568] : memref<10000x128xf32, #tpu.memory_space<vmem_shared>> -> memref<624x128xf32, #tpu.memory_space<vmem_shared>>
    tpu.enqueue_dma source(%dma_start3A_569 : memref<624x128xf32, #tpu.memory_space<vmem_shared>>) target(%dma_start3A_567 : memref<624x128xf32, #tpu.memory_space<hbm>>) target_semaphore(%arg18 : memref<!tpu.dma_semaphore, #tpu.memory_space<semaphore_mem>>)
    %dma_start3A_570 = arith.constant 0 : i32
    %dma_start3A_571 = tpu.memref_slice %arg5[%arg0, %mul3A_117, %dma_start3A_570] : memref<2x10000x16xf32, #tpu.memory_space<hbm>> -> memref<1x624x16xf32, #tpu.memory_space<hbm>>
    %dma_start3A_572 = tpu.memref_squeeze %dma_start3A_571 : memref<1x624x16xf32, #tpu.memory_space<hbm>> -> memref<624x16xf32, #tpu.memory_space<hbm>>
    %dma_start3A_573 = arith.constant 0 : i32
    %dma_start3A_574 = tpu.memref_slice %arg17[%mul3A_117, %dma_start3A_573] : memref<10000x16xf32, #tpu.memory_space<vmem_shared>> -> memref<624x16xf32, #tpu.memory_space<vmem_shared>>
    tpu.enqueue_dma source(%dma_start3A_574 : memref<624x16xf32, #tpu.memory_space<vmem_shared>>) target(%dma_start3A_572 : memref<624x16xf32, #tpu.memory_space<hbm>>) target_semaphore(%arg22 : memref<!tpu.dma_semaphore, #tpu.memory_space<semaphore_mem>>)
    %eq3A_575 = arith.constant 15 : i32
    %eq3A_576 = arith.cmpi eq, %arg1, %eq3A_575 : i32
    %convert_element_type3A_577 = arith.extui %eq3A_576 : i1 to i32
    %cond3A_578 = arith.constant 0 : i32
    %cond3A_579 = arith.cmpi ne, %convert_element_type3A_577, %cond3A_578 : i32
    scf.if %cond3A_579 {
      %dma_start3A_595 = arith.constant 9984 : i32
      %dma_start3A_596 = arith.constant 0 : i32
      %dma_start3A_597 = tpu.memref_slice %arg4[%arg0, %dma_start3A_595, %dma_start3A_596] : memref<2x10000x128xf32, #tpu.memory_space<hbm>> -> memref<1x16x128xf32, #tpu.memory_space<hbm>>
      %dma_start3A_598 = tpu.memref_squeeze %dma_start3A_597 : memref<1x16x128xf32, #tpu.memory_space<hbm>> -> memref<16x128xf32, #tpu.memory_space<hbm>>
      %dma_start3A_599 = arith.constant 9984 : i32
      %dma_start3A_600 = arith.constant 0 : i32
      %dma_start3A_601 = tpu.memref_slice %arg16[%dma_start3A_599, %dma_start3A_600] : memref<10000x128xf32, #tpu.memory_space<vmem_shared>> -> memref<16x128xf32, #tpu.memory_space<vmem_shared>>
      tpu.enqueue_dma source(%dma_start3A_601 : memref<16x128xf32, #tpu.memory_space<vmem_shared>>) target(%dma_start3A_598 : memref<16x128xf32, #tpu.memory_space<hbm>>) target_semaphore(%arg18 : memref<!tpu.dma_semaphore, #tpu.memory_space<semaphore_mem>>)
      %dma_start3A_602 = arith.constant 9984 : i32
      %dma_start3A_603 = arith.constant 0 : i32
      %dma_start3A_604 = tpu.memref_slice %arg5[%arg0, %dma_start3A_602, %dma_start3A_603] : memref<2x10000x16xf32, #tpu.memory_space<hbm>> -> memref<1x16x16xf32, #tpu.memory_space<hbm>>
      %dma_start3A_605 = tpu.memref_squeeze %dma_start3A_604 : memref<1x16x16xf32, #tpu.memory_space<hbm>> -> memref<16x16xf32, #tpu.memory_space<hbm>>
      %dma_start3A_606 = arith.constant 9984 : i32
      %dma_start3A_607 = arith.constant 0 : i32
      %dma_start3A_608 = tpu.memref_slice %arg17[%dma_start3A_606, %dma_start3A_607] : memref<10000x16xf32, #tpu.memory_space<vmem_shared>> -> memref<16x16xf32, #tpu.memory_space<vmem_shared>>
      tpu.enqueue_dma source(%dma_start3A_608 : memref<16x16xf32, #tpu.memory_space<vmem_shared>>) target(%dma_start3A_605 : memref<16x16xf32, #tpu.memory_space<hbm>>) target_semaphore(%arg22 : memref<!tpu.dma_semaphore, #tpu.memory_space<semaphore_mem>>)
    } else {
    }
    %dma_wait3A_580 = arith.constant 0 : i32
    %dma_wait3A_581 = tpu.memref_slice %arg4[%arg0, %mul3A_117, %dma_wait3A_580] : memref<2x10000x128xf32, #tpu.memory_space<hbm>> -> memref<1x624x128xf32, #tpu.memory_space<hbm>>
    %dma_wait3A_582 = tpu.memref_squeeze %dma_wait3A_581 : memref<1x624x128xf32, #tpu.memory_space<hbm>> -> memref<624x128xf32, #tpu.memory_space<hbm>>
    %dma_wait3A_583 = arith.constant 0 : i32
    %dma_wait3A_584 = tpu.memref_slice %arg16[%mul3A_117, %dma_wait3A_583] : memref<10000x128xf32, #tpu.memory_space<vmem_shared>> -> memref<624x128xf32, #tpu.memory_space<vmem_shared>>
    tpu.wait_dma2 semaphore(%arg18 : memref<!tpu.dma_semaphore, #tpu.memory_space<semaphore_mem>>) src(%dma_wait3A_584 : memref<624x128xf32, #tpu.memory_space<vmem_shared>>) dst(%dma_wait3A_582 : memref<624x128xf32, #tpu.memory_space<hbm>>)
    %dma_wait3A_585 = arith.constant 0 : i32
    %dma_wait3A_586 = tpu.memref_slice %arg5[%arg0, %mul3A_117, %dma_wait3A_585] : memref<2x10000x16xf32, #tpu.memory_space<hbm>> -> memref<1x624x16xf32, #tpu.memory_space<hbm>>
    %dma_wait3A_587 = tpu.memref_squeeze %dma_wait3A_586 : memref<1x624x16xf32, #tpu.memory_space<hbm>> -> memref<624x16xf32, #tpu.memory_space<hbm>>
    %dma_wait3A_588 = arith.constant 0 : i32
    %dma_wait3A_589 = tpu.memref_slice %arg17[%mul3A_117, %dma_wait3A_588] : memref<10000x16xf32, #tpu.memory_space<vmem_shared>> -> memref<624x16xf32, #tpu.memory_space<vmem_shared>>
    tpu.wait_dma2 semaphore(%arg22 : memref<!tpu.dma_semaphore, #tpu.memory_space<semaphore_mem>>) src(%dma_wait3A_589 : memref<624x16xf32, #tpu.memory_space<vmem_shared>>) dst(%dma_wait3A_587 : memref<624x16xf32, #tpu.memory_space<hbm>>)
    %eq3A_590 = arith.constant 15 : i32
    %eq3A_591 = arith.cmpi eq, %arg1, %eq3A_590 : i32
    %convert_element_type3A_592 = arith.extui %eq3A_591 : i1 to i32
    %cond3A_593 = arith.constant 0 : i32
    %cond3A_594 = arith.cmpi ne, %convert_element_type3A_592, %cond3A_593 : i32
    scf.if %cond3A_594 {
      %dma_wait3A_595 = arith.constant 9984 : i32
      %dma_wait3A_596 = arith.constant 0 : i32
      %dma_wait3A_597 = tpu.memref_slice %arg4[%arg0, %dma_wait3A_595, %dma_wait3A_596] : memref<2x10000x128xf32, #tpu.memory_space<hbm>> -> memref<1x16x128xf32, #tpu.memory_space<hbm>>
      %dma_wait3A_598 = tpu.memref_squeeze %dma_wait3A_597 : memref<1x16x128xf32, #tpu.memory_space<hbm>> -> memref<16x128xf32, #tpu.memory_space<hbm>>
      %dma_wait3A_599 = arith.constant 9984 : i32
      %dma_wait3A_600 = arith.constant 0 : i32
      %dma_wait3A_601 = tpu.memref_slice %arg16[%dma_wait3A_599, %dma_wait3A_600] : memref<10000x128xf32, #tpu.memory_space<vmem_shared>> -> memref<16x128xf32, #tpu.memory_space<vmem_shared>>
      tpu.wait_dma2 semaphore(%arg18 : memref<!tpu.dma_semaphore, #tpu.memory_space<semaphore_mem>>) src(%dma_wait3A_601 : memref<16x128xf32, #tpu.memory_space<vmem_shared>>) dst(%dma_wait3A_598 : memref<16x128xf32, #tpu.memory_space<hbm>>)
      %dma_wait3A_602 = arith.constant 9984 : i32
      %dma_wait3A_603 = arith.constant 0 : i32
      %dma_wait3A_604 = tpu.memref_slice %arg5[%arg0, %dma_wait3A_602, %dma_wait3A_603] : memref<2x10000x16xf32, #tpu.memory_space<hbm>> -> memref<1x16x16xf32, #tpu.memory_space<hbm>>
      %dma_wait3A_605 = tpu.memref_squeeze %dma_wait3A_604 : memref<1x16x16xf32, #tpu.memory_space<hbm>> -> memref<16x16xf32, #tpu.memory_space<hbm>>
      %dma_wait3A_606 = arith.constant 9984 : i32
      %dma_wait3A_607 = arith.constant 0 : i32
      %dma_wait3A_608 = tpu.memref_slice %arg17[%dma_wait3A_606, %dma_wait3A_607] : memref<10000x16xf32, #tpu.memory_space<vmem_shared>> -> memref<16x16xf32, #tpu.memory_space<vmem_shared>>
      tpu.wait_dma2 semaphore(%arg22 : memref<!tpu.dma_semaphore, #tpu.memory_space<semaphore_mem>>) src(%dma_wait3A_608 : memref<16x16xf32, #tpu.memory_space<vmem_shared>>) dst(%dma_wait3A_605 : memref<16x16xf32, #tpu.memory_space<hbm>>)
    } else {
    }
    return
  }
}

</mosaic_0001>

<sc_bundles>
// kernel: scatter_mean_sc.3.cloned.1.call-start
scs
__scs_entry_jumppad:
0x0: {  	(pc) =	sbr.rel $0x88, $3  }
0x1: {  	(tag) =	ssettag $0x0;
	lr =	simm.s32 $0x1  }
0x2: {  	[smem:$0x3F9F] =	sst lr;
	_ =	strace $0xD0000000  }
0x3: {  	_ = 	snop  }
0x4: {  	_ = 	snop  }
0x5: {  	_ = 	snop  }
0x6: {  	_ = 	snop  }
0x7: {  	_ = 	snop  }
__scs_overlays_trampoline_lowered:
0x8: {  	[smem:$0x3FAE] =	sst s0  }
0x9: {  	[smem:$0x3FAF] =	sst s1  }
0xa: {  	[smem:$0x3FB0] =	sst s2  }
0xb: {  	[smem:$0x3FB1] =	sst s3  }
0xc: {  	[smem:$0x3FB2] =	sst s4  }
0xd: {  	[smem:$0x3FB3] =	sst s5  }
0xe: {  	[smem:$0x3FB4] =	sst s6  }
0xf: {  	[smem:$0x3FB5] =	sst s7  }
0x10: {  	[smem:$0x3FB6] =	sst s8  }
0x11: {  	[smem:$0x3FB7] =	sst s9;
	s0 =	simm.s32 @!p0 $0x0  }
0x12: {  	s1 =	sld [smem:$0x3F9D];
	s0 =	simm.s32 @p0 $0x1  }
0x13: {  	[smem:$0x3FB8] =	sst s0;
	s0 =	simm.s32 @!p1 $0x0  }
0x14: {  	s2 =	sld [smem:$0x3F9C];
	s0 =	simm.s32 @p1 $0x1  }
0x15: {  	[smem:$0x3FB9] =	sst s0;
	s0 =	simm.s32 @!p2 $0x0  }
0x16: {  	s3 =	sld [smem:$0x3FDB];
	s0 =	simm.s32 @p2 $0x1  }
0x17: {  	s4 =	simm.s32 $0x1BF5;
	[smem:$0x3FBB] =	sst s0  }
0x18: {  	s0 =	sld [smem:$0x3F9E];
	_ =	swait.ge [sflag:s4], $0x0  }
0x19: {  	s7 =	sld [smem:$0x3F9F]  }
0x1a: {  	s8 =	sadd.s32 $0xFFFFE003, lr  }
0x1b: {  	s9 =	sadd.s32 $0xFFFFFEF7, lr;
	s5 =	simm.s32 $0xFFFFFFFF;
	p2 =	slt.u32 s8, $0xFFFFF086  }
0x1c: {  	p1 =	slt.u32 s9, $0xF7A;
	s5 =	simm.s32 @!p2 $0x0  }
0x1d: {  	s5 =	simm.s32 @p1 $0x1;
	p0 =	seq.s32 s7, s2  }
0x1e: {  	s7 =	smul.u32 @!p0 $0xF7A, s2;
	p2 =	seq.s32 @!p0 s5, $0x0  }
0x1f: {  	s9 =	smul.u32 $0xF7A, s1;
	s8 =	simm.s32 @!p0 $0x1BF5;
	p2 =	por !p2, p0  }
0x20: {  	[sflag:s8] =	ssyncset.s32 @!p0 $0xFFFFF086;
	s6 =	sadd.s32 @!p0 s3, s7;
	s7 =	simm.s32 @!p0 $0x108  }
0x21: {  	s3 =	sadd.s32 s3, s9;
	s6 =	sadd.s32 @!p0 $0x88, s6;
	s7 =	simm.s32 @p2 $0x1082  }
0x22: {  	[simem:s7], [sflag:s8] =	dma.local @!p0 [hbm:s6], $0xF7A  }
0x23: {  	s9 =	sor.u32 $0xD0000000, s2;
	s6 =	simm.s32 $0x108;
	_ =	swait.ge @!p0 [sflag:s8], $0x0  }
0x24: {  	s3 =	sadd.s32 $0x88, s3;
	s6 =	simm.s32 @!p1 $0x1082;
	[sflag:s4] =	ssyncset.s32 $0xFFFFF086  }
0x25: {  	[simem:s6], [sflag:s4] =	dma.local [hbm:s3], $0xF7A  }
0x26: {  	[smem:$0x3F9F] =	sst s1;
	(tag) =	ssettag s2;
	_ =	strace s9  }
0x27: {  	s1 =	sld [smem:$0x3FAF]  }
0x28: {  	s2 =	sld [smem:$0x3FB0]  }
0x29: {  	s4 =	sld [smem:$0x3FB2]  }
0x2a: {  	p0 =	seq.s32 s5, $0x0;
	s5 =	sld [smem:$0x3FB3]  }
0x2b: {  	s6 =	sld [smem:$0x3FB4]  }
0x2c: {  	s7 =	sld [smem:$0x3FB5]  }
0x2d: {  	s3 =	simm.s32 $0x108;
	s8 =	sld [smem:$0x3FB6]  }
0x2e: {  	s3 =	simm.s32 @!p0 $0x1082;
	s9 =	sld [smem:$0x3FB7]  }
0x2f: {  	lr =	sadd.s32 s0, s3;
	s0 =	sld [smem:$0x3FAE]  }
0x30: {  	s3 =	sld [smem:$0x3FB1]  }
0x31: {  	[smem:$0x3FBA] =	sst s10  }
0x32: {  	s10 =	sld [smem:$0x3FB8];
	_ =	sdelay $0x3  }
0x33: {  	p0 =	seq.s32 s10, $0x1;
	s10 =	sld [smem:$0x3FBA];
	_ =	sdelay $0x3  }
0x34: {  	[smem:$0x3FBA] =	sst s10  }
0x35: {  	s10 =	sld [smem:$0x3FB9];
	_ =	sdelay $0x3  }
0x36: {  	p1 =	seq.s32 s10, $0x1;
	s10 =	sld [smem:$0x3FBA];
	_ =	sdelay $0x3  }
0x37: {  	[smem:$0x3FBA] =	sst s10  }
0x38: {  	s10 =	sld [smem:$0x3FBB]  }
0x39: {  	_ = 	snop;
	(pc) =	sbr.ind lr, $3  }
0x3a: {  	_ = 	snop  }
0x3b: {  	_ = 	snop  }
0x3c: {  	p2 =	seq.s32 s10, $0x1;
	s10 =	sld [smem:$0x3FBA]  }
0x3d: {  	_ =	shalt  }
0x3e: {  	_ =	shalt  }
0x3f: {  	_ =	shalt  }
0x40: {  	_ =	shalt  }
0x41: {  	_ =	shalt  }
0x42: {  	_ =	shalt  }
0x43: {  	_ =	shalt  }
0x44: {  	_ =	shalt  }
0x45: {  	_ =	shalt  }
0x46: {  	_ =	shalt  }
0x47: {  	_ =	shalt  }
0x48: {  	_ =	shalt  }
0x49: {  	_ =	shalt  }
0x4a: {  	_ =	shalt  }
0x4b: {  	_ =	shalt  }
0x4c: {  	_ =	shalt  }
0x4d: {  	_ =	shalt  }
0x4e: {  	_ =	shalt  }
0x4f: {  	_ =	shalt  }
0x50: {  	_ =	shalt  }
0x51: {  	_ =	shalt  }
0x52: {  	_ =	shalt  }
0x53: {  	_ =	shalt  }
0x54: {  	_ =	shalt  }
0x55: {  	_ =	shalt  }
0x56: {  	_ =	shalt  }
0x57: {  	_ =	shalt  }
0x58: {  	_ =	shalt  }
0x59: {  	_ =	shalt  }
0x5a: {  	_ =	shalt  }
0x5b: {  	_ =	shalt  }
0x5c: {  	_ =	shalt  }
0x5d: {  	_ =	shalt  }
0x5e: {  	_ =	shalt  }
0x5f: {  	_ =	shalt  }
0x60: {  	_ =	shalt  }
0x61: {  	_ =	shalt  }
0x62: {  	_ =	shalt  }
0x63: {  	_ =	shalt  }
0x64: {  	_ =	shalt  }
0x65: {  	_ =	shalt  }
0x66: {  	_ =	shalt  }
0x67: {  	_ =	shalt  }
0x68: {  	_ =	shalt  }
0x69: {  	_ =	shalt  }
0x6a: {  	_ =	shalt  }
0x6b: {  	_ =	shalt  }
0x6c: {  	_ =	shalt  }
0x6d: {  	_ =	shalt  }
0x6e: {  	_ =	shalt  }
0x6f: {  	_ =	shalt  }
0x70: {  	_ =	shalt  }
0x71: {  	_ =	shalt  }
0x72: {  	_ =	shalt  }
0x73: {  	_ =	shalt  }
0x74: {  	_ =	shalt  }
0x75: {  	_ =	shalt  }
0x76: {  	_ =	shalt  }
0x77: {  	_ =	shalt  }
0x78: {  	_ =	shalt  }
0x79: {  	_ =	shalt  }
0x7a: {  	_ =	shalt  }
0x7b: {  	_ =	shalt  }
0x7c: {  	_ =	shalt  }
0x7d: {  	_ =	shalt  }
0x7e: {  	_ =	shalt  }
0x7f: {  	_ =	shalt  }
0x80: {  	_ =	shalt  }
0x81: {  	_ =	shalt  }
0x82: {  	_ =	shalt  }
0x83: {  	_ =	shalt  }
0x84: {  	_ =	shalt  }
0x85: {  	_ =	shalt  }
0x86: {  	_ =	shalt  }
0x87: {  	_ =	shalt  }
.Lfunc_end0:
.L_simem_size_0:
called_computation_lowered:
.L_overlay_start_0:
0x88: {  	s2 =	sld [smem:$0x3FD9]  }
0x89: {  	s3 =	sld [smem:$0x3FFE];
	_ =	sdelay $0x1  }
0x8a: {  	s1 =	srdreg.scid  }
0x8b: {  	s0 =	sand.u32 $0x1, s1  }
0x8c: {  	s14 =	sshll.u32 s0, $0xA;
	s2 =	sadd.s32 s3, s2  }
0x8d: {  	s2 =	sadd.s32 s2, s14  }
0x8e: {  	[smem:$0x3FC6] =	sst s2  }
0x8f: {  	_ = 	snop  }
0x90: {  	s2 =	sld [smem:$0x3FD0];
	_ =	sdelay $0x2  }
0x91: {  	s4 =	simm.s32 $0xA;
	s5 =	simm.s32 $0x10;
	s15 =	sld [smem:$0x3FC9]  }
0x92: {  	[smem:s5], [sflag:s4] =	dma.local [hbm:s2], $0x1  }
0x93: {  	_ =	swait.eq [sflag:s4], $0x1  }
0x94: {  	[sflag:s4] =	ssyncset.done $0x0  }
0x95: {  	s16 =	sld [smem:$0x10];
	[sflag:s4] =	ssyncadd.s32 $0xFFFFFFFF  }
0x96: {  	s17 =	sld [smem:$0x11];
	(tm) =	ssettm $0x1  }
0x97: {  	s18 =	sld [smem:$0x3FFB];
	_ =	sdelay $0x3  }
0x98: {  	_ =	strace s18  }
0x99: {  	s5 =	sld [smem:$0x3FFC];
	_ =	sdelay $0x3  }
0x9a: {  	_ =	strace s5  }
0x9b: {  	s5 =	sld [smem:$0x3FFD];
	_ =	sdelay $0x3  }
0x9c: {  	_ =	strace s5  }
0x9d: {  	_ =	strace $0x8FFFFFFF  }
0x9e: {  	s19 =	sld [smem:$0x3FDB];
	_ =	sdelay $0x1  }
0x9f: {  	s6 =	simm.s32 $_scs_section_size  }
0xa0: {  	s7 =	simm.s32 $_size__tile_overlayer_lowered;
	s8 =	simm.s32 $_tile_overlayer_lowered  }
0xa1: {  	s22 =	simm.s32 $0x1BFF;
	s21 =	sshll.u32 s8, $0x1;
	s5 =	sadd.s32 s6, s19  }
0xa2: {  	s9 =	simm.s32 $0x0;
	s20 =	sshll.u32 s7, $0x1;
	s7 =	sadd.s32 s21, s5  }
0xa3: {  	[timem:s9], [sflag:s22] =	dma.local [hbm:s7], s20  }
0xa4: {  	_ =	swait.ge [sflag:s22], s20  }
0xa5: {  	s6 =	ssub.s32 $0x0, s20;
	[sflag:s22] =	ssyncset.done $0x0  }
0xa6: {  	[sflag:s22] =	ssyncadd.s32 s6;
	_ =	sdelay $0x1  }
0xa7: {  	s23 =	simm.s32 $0x1B8B  }
0xa8: {  	_ =	swait.ge [sflag:s23], $0x1  }
0xa9: {  	[sflag:s23] =	ssyncset.done $0x0  }
0xaa: {  	s25 =	simm.s32 $0x1B8E;
	s24 =	sld [smem:$0x3FFE];
	[sflag:s23] =	ssyncadd.s32 $0xFFFFFFFF  }
0xab: {  	s26 =	simm.s32 $execute0_lowered;
	[smem:$0x3FD2] =	sst s25  }
0xac: {  	s7 =	sshll.u32 s26, $0x1;
	_ =	strace $0x80000046;
	[dreg:$0x1] =	wrdreg $0xFFFFFFFF  }
0xad: {  	s28 =	simm.s32 $_size_execute0_lowered;
	s5 =	sadd.s32 s5, s7;
	[dreg:$0x0] =	wrdreg $0x0  }
0xae: {  	s7 =	sshll.u32 s28, $0x1;
	[dreg:$0x2] =	wrdreg s5  }
0xaf: {  	[dreg:$0x3] =	wrdreg s7  }
0xb0: {  	[dreg:$0x4] =	wrdreg $0xC0  }
0xb1: {  	_ =	task [dreg:s9], $0x5FFFF  }
0xb2: {  	[dreg:$0x1] =	wrdreg $0xFFFFFFFF  }
0xb3: {  	[dreg:$0x0] =	wrdreg $0x60  }
0xb4: {  	[dreg:$0x2] =	wrdreg s15  }
0xb5: {  	[dreg:$0x3] =	wrdreg s24  }
0xb6: {  	[dreg:$0x4] =	wrdreg s16  }
0xb7: {  	[dreg:$0x5] =	wrdreg s17  }
0xb8: {  	[dreg:$0x6] =	wrdreg $0x89000  }
0xb9: {  	[dreg:$0x7] =	wrdreg $0x1C1800  }
0xba: {  	[dreg:$0x8] =	wrdreg $0x9  }
0xbb: {  	_ =	task.clear_ibuf [dreg:s9], $0x9FFFF;
	_ =	strace $0x90000046  }
0xbc: {  	s29 =	simm.s32 $0x9;
	_ =	strace $0x80000048  }
0xbd: {  	_ =	swait.ge [sflag:s29], $0x1  }
0xbe: {  	[sflag:s29] =	ssyncadd.s32 $0xFFFFFFFF  }
0xbf: {  	_ =	strace $0x90000048  }
0xc0: {  	_ =	sfence  }
0xc1: {  	s30 =	sld [smem:$0x0];
	_ =	sdelay $0x2  }
0xc2: {  	s31 =	sshll.u32 s1, $0xD;
	s1 =	sshrl.u32 s1, $0x2  }
0xc3: {  	s3 =	sand.u32 $0x4000, s31;
	s1 =	sadd.s32 s1, s30  }
0xc4: {  	s0 =	sor.u32 s3, s0;
	s1 =	sshll.u32 s1, $0x11  }
0xc5: {  	s0 =	sor.u32 s1, s0  }
0xc6: {  	s0 =	sadd.s32 $0x8F2B, s0  }
0xc7: {  	[sflag:s0] =	ssyncadd.remote.s32 $0x1  }
0xc8: {  	_ =	sfence.sel $0xFFFF  }
0xc9: {  	[dreg:$0x0] =	wrdreg $0xFFFFFFFF;
	(pc) =	sbr.abs _section_cstart, $3  }
0xca: {  	[dreg:$0x1] =	wrdreg $0xFFFFFFFF  }
0xcb: {  	_ =	task.clear_ibuf [dreg:s9], $0x2FFFF;
	_ =	strace $0x9FFFFFFF  }
0xcc: {  	(tm) =	ssettm $0x7FFFFFFF  }
0xcd: {  	_ =	shalt  }
tec
execute0_lowered:
.L_overlay_start_1:
0x0: {  	(tag) =	ssettag $0x1  }
0x1: {  	s6 =	rddreg [dreg:$0x0]  }
0x2: {  	s1 =	rddreg [dreg:$0x1]  }
0x3: {  	s5 =	rddreg [dreg:$0x2]  }
0x4: {  	s7 =	rddreg [dreg:$0x3]  }
0x5: {  	s23 =	rddreg [dreg:$0x4]  }
0x6: {  	s0 =	srdreg.scid;
	s19 =	stileid.u32  }
0x7: {  	s3 =	rddreg [dreg:$0x5];
	s4 =	simm.s32 $0x0;
	s29 =	simm.s32 $0x8040  }
0x8: {  	s28 =	simm.s32 $0x8080;
	s31 =	simm.s32 $0x80C0;
	s8 =	sand.u32 $0x1, s0  }
0x9: {  	s22 =	sshll.u32 s19, $0x1;
	[smem:$0x7FF] =	sst s4;
	s11 =	sadd.s32 $0x800, s1  }
0xa: {  	s14 =	sadd.s32 $0x200, s6;
	s1 =	sadd.s32 $0xA440, s1;
	s2 =	smul.u32 $0x138800, s8  }
0xb: {  	p0 =	sne.s32 s19, $0xF;
	s9 =	sor.u32 s8, s22;
	s18 =	smul.u32 $0x27100, s8  }
0xc: {  	p1 =	sgt.u32 s19, $0x3;
	s24 =	ssub.s32 $0x2, s8;
	s10 =	smul.u32 $0x9C, s9  }
0xd: {  	_ =	strace $0x80000047;
	s12 =	sshrl.u32 s24, $0x1;
	s25 =	smul.u32 $0x2700, s9  }
0xe: {  	s15 =	smul.u32 $0x27000, s9;
	s0 =	ssub.s32 s24, s12;
	s22 =	sshrl.u32 s2, $0x3  }
0xf: {  	s24 =	sshrl.u32 s18, $0x3;
	s10 =	sor.u32 $0x1, s10;
	s26 =	sshrl.u32 s25, $0x3  }
0x10: {  	s20 =	sadd.s32 s6, s15;
	s25 =	smul.u32 $0x4E000, s19;
	s0 =	smax.u32 s0, $0x1  }
0x11: {  	s13 =	sshll.u32 s10, $0xA;
	s10 =	sshll.u32 s10, $0x3;
	[smem:$0x7F6] =	sst s0  }
0x12: {  	s17 =	sadd.s32 s11, s26;
	[dreg:$0xb] =	wrdreg s20;
	s0 =	simm.s32 $0x9  }
0x13: {  	s16 =	sadd.s32 s6, s13;
	s13 =	sadd.s32 s13, s14;
	s10 =	sadd.s32 s10, s1  }
0x14: {  	s1 =	sadd.s32 s26, s1;
	s26 =	smul.u32 $0x27000, s8;
	[dreg:$0x8] =	wrdreg s16  }
0x15: {  	s14 =	sadd.s32 s15, s14;
	s8 =	smul.u32 $0x4E0, s8;
	[dreg:$0x9] =	wrdreg s13  }
0x16: {  	s15 =	sshll.u32 s9, $0xA;
	s13 =	smul.u32 $0x13800, s19;
	[dreg:$0xa] =	wrdreg s10  }
0x17: {  	s9 =	sshll.u32 s9, $0x3;
	s16 =	smul.u32 $0x2700, s19;
	[dreg:$0xc] =	wrdreg s14  }
0x18: {  	[dreg:$0xd] =	wrdreg s1;
	s10 =	sadd.s32 s15, s6;
	s6 =	sadd.s32 s25, s6  }
0x19: {  	s15 =	smul.u32 $0x9C0, s19;
	s9 =	sadd.s32 s9, s11;
	s6 =	sadd.s32 s26, s6  }
0x1a: {  	s14 =	sadd.s32 s13, s2;
	s21 =	sadd.s32 s16, s18;
	s2 =	sadd.s32 $0x9C50, s17  }
0x1b: {  	s30 =	sadd.s32 s13, s23;
	[dreg:$0x7] =	wrdreg s6;
	s6 =	sadd.s32 s15, s11  }
0x1c: {  	s1 =	sshrl.u32 s14, $0x3;
	s14 =	sshrl.u32 s21, $0x3;
	[dreg:$0x10] =	wrdreg s2  }
0x1d: {  	s6 =	sadd.s32 s8, s6;
	[dreg:$0x12] =	wrdreg s30;
	s1 =	sadd.s32 s5, s1  }
0x1e: {  	s14 =	sadd.s32 s7, s14;
	[dreg:$0xe] =	wrdreg s1;
	s1 =	sadd.s32 s5, s22  }
0x1f: {  	[dreg:$0xf] =	wrdreg s14;
	s5 =	sadd.s32 s7, s24;
	s14 =	sadd.s32 $0x9C58, s17  }
0x20: {  	s7 =	smul.u32 $0x270, s19;
	s17 =	sadd.s32 s16, s3;
	[dreg:$0x11] =	wrdreg s14  }
0x21: {  	s19 =	sadd.s32 $0x800, s20;
	[dreg:$0x13] =	wrdreg s17;
	s1 =	sadd.s32 $0x27000, s1  }
0x22: {  	[smem:$0x7F8] =	sst s19;
	s19 =	simm.s32 $0xE;
	s18 =	sadd.s32 $0x40, s7  }
0x23: {  	s24 =	sadd.s32 $0x80, s7;
	s26 =	sadd.s32 $0xC0, s7;
	s12 =	sadd.s32 $0x100, s7  }
0x24: {  	s15 =	sadd.s32 $0x140, s7;
	s17 =	sadd.s32 $0x180, s7;
	[smem:$0x7F4] =	sst s1  }
0x25: {  	s1 =	simm.s32 $0xF;
	s21 =	sshll.u32 s18, $0x7;
	s11 =	sshll.u32 s18, $0x4  }
0x26: {  	s25 =	sshll.u32 s24, $0x7;
	s2 =	sshll.u32 s26, $0x7;
	s13 =	sshll.u32 s12, $0x7  }
0x27: {  	s16 =	sshll.u32 s15, $0x7;
	s18 =	sshll.u32 s17, $0x7;
	s8 =	sadd.s32 s21, s23  }
0x28: {  	s22 =	sadd.s32 s11, s3;
	s11 =	sadd.s32 s25, s23;
	s21 =	sshll.u32 s17, $0x4  }
0x29: {  	s25 =	sadd.s32 $0x200, s7;
	s17 =	sadd.s32 $0x4E00, s5;
	[dreg:$0x14] =	wrdreg s8  }
0x2a: {  	s5 =	simm.s32 $0xD;
	[dreg:$0x15] =	wrdreg s22;
	s8 =	sshll.u32 s24, $0x4  }
0x2b: {  	[dreg:$0x16] =	wrdreg s11;
	s11 =	sshll.u32 s26, $0x4;
	s22 =	sadd.s32 $0x1C0, s7  }
0x2c: {  	[smem:$0x7F5] =	sst s17;
	s8 =	sadd.s32 s8, s3;
	s24 =	sshll.u32 s22, $0x7  }
0x2d: {  	s26 =	sshll.u32 s22, $0x4;
	s22 =	sadd.s32 $0xC00, s20;
	[dreg:$0x17] =	wrdreg s8  }
0x2e: {  	s8 =	sadd.s32 s2, s23;
	s2 =	sshll.u32 s25, $0x7;
	[smem:$0x7FA] =	sst s22  }
0x2f: {  	[dreg:$0x18] =	wrdreg s8;
	s8 =	sadd.s32 s11, s3;
	s11 =	sshll.u32 s12, $0x4  }
0x30: {  	s12 =	sshll.u32 s25, $0x4;
	s25 =	sadd.s32 $0x138000, s23;
	[dreg:$0x19] =	wrdreg s8  }
0x31: {  	s7 =	sadd.s32 $0x240, s7;
	s8 =	sadd.s32 s13, s23;
	[smem:$0x7FC] =	sst s25  }
0x32: {  	s17 =	simm.s32 $0x4;
	s14 =	sadd.s32 s11, s3;
	[dreg:$0x1a] =	wrdreg s8  }
0x33: {  	s11 =	sadd.s32 s16, s23;
	s13 =	sshll.u32 s7, $0x7;
	[dreg:$0x1b] =	wrdreg s14  }
0x34: {  	s7 =	sshll.u32 s7, $0x4;
	s16 =	sadd.s32 $0x13840, s9;
	[dreg:$0x1c] =	wrdreg s11  }
0x35: {  	s25 =	simm.s32 $0x3000;
	s11 =	sadd.s32 s2, s23;
	[smem:$0x7F3] =	sst s16  }
0x36: {  	s9 =	simm.s32 $0x5;
	s14 =	sadd.s32 s13, s23;
	[smem:$0x7EE] =	sst s11  }
0x37: {  	s8 =	sshll.u32 s15, $0x4;
	s7 =	sadd.s32 s7, s3;
	[smem:$0x7F0] =	sst s14  }
0x38: {  	s15 =	sadd.s32 $0x4E0000, s10;
	s10 =	simm.s32 $0x40;
	[smem:$0x7F1] =	sst s7  }
0x39: {  	s16 =	simm.s32 $0x3;
	s8 =	sadd.s32 s8, s3;
	[smem:$0x7F2] =	sst s15  }
0x3a: {  	s13 =	simm.s32 $0xB;
	[dreg:$0x1d] =	wrdreg s8;
	s8 =	sadd.s32 s18, s23  }
0x3b: {  	s2 =	simm.s32 $0x10;
	s18 =	sadd.s32 $0x9C78, s6;
	[dreg:$0x1e] =	wrdreg s8  }
0x3c: {  	s7 =	simm.s32 $0x1;
	s8 =	sadd.s32 s21, s3;
	[smem:$0x7F7] =	sst s18  }
0x3d: {  	s11 =	simm.s32 $0x8100;
	s21 =	sadd.s32 $0xA00, s20;
	[dreg:$0x1f] =	wrdreg s8  }
0x3e: {  	s14 =	simm.s32 $0x7;
	s8 =	sadd.s32 s24, s23;
	[smem:$0x7F9] =	sst s21  }
0x3f: {  	s15 =	simm.s32 $0xA;
	s24 =	sadd.s32 $0xE00, s20;
	[smem:$0x7EC] =	sst s8  }
0x40: {  	s20 =	simm.s32 $0x8;
	s8 =	sadd.s32 s26, s3;
	[smem:$0x7FB] =	sst s24  }
0x41: {  	s21 =	simm.s32 $0xC;
	s26 =	sadd.s32 $0x27000, s3;
	[smem:$0x7ED] =	sst s8  }
0x42: {  	s8 =	sadd.s32 s12, s3;
	[smem:$0x7FD] =	sst s26;
	s12 =	simm.s32 $0x2  }
0x43: {  	v0 =	vimm.f32 $0.0e+00;
	v1 =	vimm.f32 $1.000000000e+00;
	s26 =	simm.s32 $0x0;
	[smem:$0x7EF] =	sst s8;
	s8 =	simm.s32 $0x8000  }
.LBB2_1:
0x44: {  	[tilespmem:s10+$0x20] =	vst v0  }
0x45: {  	[tilespmem:s10+$0x10] =	vst v0  }
0x46: {  	[tilespmem:s10+$0x0] =	vst v0  }
0x47: {  	[tilespmem:s10+$0xFFFFFFF0] =	vst v0  }
0x48: {  	[tilespmem:s10+$0xFFFFFFE0] =	vst v0  }
0x49: {  	[tilespmem:s10+$0xFFFFFFD0] =	vst v0  }
0x4a: {  	[smem:$0x7EB] =	sst s26;
	[tilespmem:s10+$0xFFFFFFC0] =	vst v0  }
0x4b: {  	[tilespmem:s10+$0x30] =	vst v0;
	s26 =	simm.s32 $0x0;
	s6 =	simm.s32 $0x40;
	s22 =	simm.s32 $0x40  }
.LBB2_2:
0x4c: {  	p2 =	sne.s32 s6, $0xFC0;
	[tilespmem:s26+$0x8100] =	vst v1  }
0x4d: {  	s22 =	sadd.s32 $0x80, s22;
	[tilespmem:s26+$0x8500] =	vst v0  }
0x4e: {  	[tilespmem:s22+$0x20] =	vst v0  }
0x4f: {  	[tilespmem:s22+$0x10] =	vst v0  }
0x50: {  	[tilespmem:s22+$0x0] =	vst v0  }
.Ltmp0:
0x51: {  	[tilespmem:s22+$0xFFFFFFF0] =	vst v0;
	(pc) =	sbr.rel @p2 .LBB2_2-.Ltmp0, $4  }
0x52: {  	[tilespmem:s22+$0xFFFFFFE0] =	vst v0  }
0x53: {  	[tilespmem:s22+$0xFFFFFFD0] =	vst v0  }
0x54: {  	[tilespmem:s22+$0xFFFFFFC0] =	vst v0  }
0x55: {  	s26 =	sshra.s32 s6, $0x2;
	s6 =	sadd.s32 $0x40, s6;
	[tilespmem:s22+$0x30] =	vst v0  }
0x56: {  	[tilespmem:s26+$0x8100] =	vst v1;
	s6 =	rddreg [dreg:$0x8]  }
0x57: {  	[tilespmem:s26+$0x8500] =	vst v0;
	s24 =	simm.s32 $0x2000;
	s26 =	rddreg [dreg:$0x9]  }
0x58: {  	[tilespmem:s24], [sflag:$0x2] =	stream.linear.gather [hbm4b:s6+s4], $0x1000, $0x38;
	[tilespmem:$0x1E890] =	vst v63  }
0x59: {  	s18 =	rddreg [dreg:$0xa]  }
0x5a: {  	[tilespmem:s25], [sflag:$0x2] =	stream.linear.gather [hbm4b:s26+s4], $0x1000, $0x38;
	[tilespmem:$0x1E890] =	vst v63  }
0x5b: {  	s22 =	sld [smem:$0x7F8]  }
0x5c: {  	[tilespmem:s29], [sflag:$0x6] =	stream.linear.gather [hbm4b:s18+s4], $0x40, $0x38;
	[tilespmem:$0x1E890] =	vst v63  }
0x5d: {  	s26 =	simm.s32 $0x4000;
	s25 =	sld [smem:$0x7F9]  }
0x5e: {  	[tilespmem:s26], [sflag:$0x3] =	stream.linear.gather [hbm4b:s22+s4], $0x1000, $0x38;
	[tilespmem:$0x1E890] =	vst v63  }
0x5f: {  	s18 =	simm.s32 $0x5000;
	s22 =	sld [smem:$0x7FA]  }
0x60: {  	[tilespmem:s18], [sflag:$0x3] =	stream.linear.gather [hbm4b:s25+s4], $0x1000, $0x38;
	[tilespmem:$0x1E890] =	vst v63  }
0x61: {  	s18 =	rddreg [dreg:$0x10]  }
0x62: {  	[tilespmem:s28], [sflag:$0x7] =	stream.linear.gather [hbm4b:s18+s4], $0x40, $0x38;
	[tilespmem:$0x1E890] =	vst v63  }
0x63: {  	s25 =	simm.s32 $0x6000;
	s18 =	sld [smem:$0x7FB]  }
0x64: {  	[tilespmem:s25], [sflag:$0x4] =	stream.linear.gather [hbm4b:s22+s4], $0x1000, $0x38;
	[tilespmem:$0x1E890] =	vst v63  }
0x65: {  	s22 =	simm.s32 $0x7000  }
0x66: {  	[tilespmem:s22], [sflag:$0x4] =	stream.linear.gather [hbm4b:s18+s4], $0x1000, $0x38;
	[tilespmem:$0x1E890] =	vst v63  }
0x67: {  	s25 =	rddreg [dreg:$0x11]  }
0x68: {  	[tilespmem:s31], [sflag:$0x8] =	stream.linear.gather [hbm4b:s25+s4], $0x40, $0x38;
	[tilespmem:$0x1E890] =	vst v63  }
0x69: {  	s18 =	rddreg [dreg:$0x13]  }
0x6a: {  	[spmem:s30] =	stream.linear.scatter [tilespmem:s4], [sflag:$0x9], $0x2000, $0x38;
	[tilespmem:$0x1E890] =	vst v63  }
0x6b: {  	s22 =	simm.s32 $0x8500;
	s25 =	rddreg [dreg:$0x14]  }
0x6c: {  	[spmem:s18] =	stream.linear.scatter [tilespmem:s22], [sflag:$0xD], $0x400, $0x38;
	[tilespmem:$0x1E890] =	vst v63  }
0x6d: {  	s18 =	rddreg [dreg:$0x15]  }
0x6e: {  	[spmem:s25] =	stream.linear.scatter [tilespmem:s4], [sflag:$0x9], $0x2000, $0x38;
	[tilespmem:$0x1E890] =	vst v63  }
0x6f: {  	s25 =	rddreg [dreg:$0x16]  }
0x70: {  	[spmem:s18] =	stream.linear.scatter [tilespmem:s22], [sflag:$0xD], $0x400, $0x38;
	[tilespmem:$0x1E890] =	vst v63  }
0x71: {  	s18 =	rddreg [dreg:$0x17]  }
0x72: {  	[spmem:s25] =	stream.linear.scatter [tilespmem:s4], [sflag:$0x9], $0x2000, $0x38;
	[tilespmem:$0x1E890] =	vst v63  }
0x73: {  	s25 =	rddreg [dreg:$0x18]  }
0x74: {  	[spmem:s18] =	stream.linear.scatter [tilespmem:s22], [sflag:$0xD], $0x400, $0x38;
	[tilespmem:$0x1E890] =	vst v63  }
0x75: {  	s18 =	rddreg [dreg:$0x19]  }
0x76: {  	[spmem:s25] =	stream.linear.scatter [tilespmem:s4], [sflag:$0x9], $0x2000, $0x38;
	[tilespmem:$0x1E890] =	vst v63  }
0x77: {  	s25 =	rddreg [dreg:$0x1a]  }
0x78: {  	[spmem:s18] =	stream.linear.scatter [tilespmem:s22], [sflag:$0xD], $0x400, $0x38;
	[tilespmem:$0x1E890] =	vst v63  }
0x79: {  	s18 =	rddreg [dreg:$0x1b]  }
0x7a: {  	[spmem:s25] =	stream.linear.scatter [tilespmem:s4], [sflag:$0x9], $0x2000, $0x38;
	[tilespmem:$0x1E890] =	vst v63  }
0x7b: {  	s25 =	rddreg [dreg:$0x1c]  }
0x7c: {  	[spmem:s18] =	stream.linear.scatter [tilespmem:s22], [sflag:$0xD], $0x400, $0x38;
	[tilespmem:$0x1E890] =	vst v63  }
0x7d: {  	s18 =	rddreg [dreg:$0x1d]  }
0x7e: {  	[spmem:s25] =	stream.linear.scatter [tilespmem:s4], [sflag:$0x9], $0x2000, $0x38;
	[tilespmem:$0x1E890] =	vst v63  }
0x7f: {  	s25 =	rddreg [dreg:$0x1e]  }
0x80: {  	[spmem:s18] =	stream.linear.scatter [tilespmem:s22], [sflag:$0xD], $0x400, $0x38;
	[tilespmem:$0x1E890] =	vst v63  }
0x81: {  	s18 =	rddreg [dreg:$0x1f]  }
0x82: {  	[spmem:s25] =	stream.linear.scatter [tilespmem:s4], [sflag:$0x9], $0x2000, $0x38;
	[tilespmem:$0x1E890] =	vst v63  }
0x83: {  	s25 =	sld [smem:$0x7EC]  }
0x84: {  	[spmem:s18] =	stream.linear.scatter [tilespmem:s22], [sflag:$0xD], $0x400, $0x38;
	[tilespmem:$0x1E890] =	vst v63  }
0x85: {  	s18 =	sld [smem:$0x7ED]  }
0x86: {  	[spmem:s25] =	stream.linear.scatter [tilespmem:s4], [sflag:$0x9], $0x2000, $0x38;
	[tilespmem:$0x1E890] =	vst v63  }
0x87: {  	s25 =	sld [smem:$0x7EE]  }
0x88: {  	[spmem:s18] =	stream.linear.scatter [tilespmem:s22], [sflag:$0xD], $0x400, $0x38;
	[tilespmem:$0x1E890] =	vst v63  }
0x89: {  	s18 =	sld [smem:$0x7EF]  }
0x8a: {  	[spmem:s25] =	stream.linear.scatter [tilespmem:s4], [sflag:$0x9], $0x2000, $0x38;
	[tilespmem:$0x1E890] =	vst v63  }
0x8b: {  	s25 =	sld [smem:$0x7F0]  }
0x8c: {  	[spmem:s18] =	stream.linear.scatter [tilespmem:s22], [sflag:$0xD], $0x400, $0x38;
	[tilespmem:$0x1E890] =	vst v63  }
0x8d: {  	s18 =	sld [smem:$0x7F1]  }
0x8e: {  	[spmem:s25] =	stream.linear.scatter [tilespmem:s4], [sflag:$0x9], $0x1800, $0x38;
	[tilespmem:$0x1E890] =	vst v63  }
0x8f: {  	_ = 	snop  }
0x90: {  	[spmem:s18] =	stream.linear.scatter [tilespmem:s22], [sflag:$0xD], $0x300, $0x38;
	[tilespmem:$0x1E890] =	vst v63  }
0x91: {  	s22 =	sld [smem:$0x7FC];
	_ =	sdelay $0x1  }
0x92: {  	s6 =	simm.s32 @!p0 $0x0  }
0x93: {  	[spmem:s22] =	stream.linear.scatter @!p0 [tilespmem:s6], [sflag:$0x9], $0x800, $0x38;
	[tilespmem:$0x1E890] =	vst v63  }
0x94: {  	s22 =	sld [smem:$0x7FD];
	_ =	sdelay $0x1  }
0x95: {  	s6 =	simm.s32 @!p0 $0x8500  }
0x96: {  	[spmem:s22] =	stream.linear.scatter @!p0 [tilespmem:s6], [sflag:$0xD], $0x100, $0x38;
	[tilespmem:$0x1E890] =	vst v63  }
0x97: {  	_ =	swait.ge [sflag:s0], $0x2000  }
0x98: {  	[sflag:s0] =	ssyncset.done $0x0  }
0x99: {  	[sflag:s0] =	ssyncadd.s32 $0xFFFFE000  }
0x9a: {  	_ =	swait.ge [sflag:s5], $0x400  }
0x9b: {  	[sflag:s5] =	ssyncset.done $0x0  }
0x9c: {  	[sflag:s5] =	ssyncadd.s32 $0xFFFFFC00  }
0x9d: {  	_ =	swait.ge [sflag:s0], $0x2000  }
0x9e: {  	[sflag:s0] =	ssyncset.done $0x0  }
0x9f: {  	[sflag:s0] =	ssyncadd.s32 $0xFFFFE000  }
0xa0: {  	_ =	swait.ge [sflag:s5], $0x400  }
0xa1: {  	[sflag:s5] =	ssyncset.done $0x0  }
0xa2: {  	[sflag:s5] =	ssyncadd.s32 $0xFFFFFC00  }
0xa3: {  	_ =	swait.ge [sflag:s0], $0x2000  }
0xa4: {  	[sflag:s0] =	ssyncset.done $0x0  }
0xa5: {  	[sflag:s0] =	ssyncadd.s32 $0xFFFFE000  }
0xa6: {  	_ =	swait.ge [sflag:s5], $0x400  }
0xa7: {  	[sflag:s5] =	ssyncset.done $0x0  }
0xa8: {  	[sflag:s5] =	ssyncadd.s32 $0xFFFFFC00  }
0xa9: {  	_ =	swait.ge [sflag:s0], $0x2000  }
0xaa: {  	[sflag:s0] =	ssyncset.done $0x0  }
0xab: {  	[sflag:s0] =	ssyncadd.s32 $0xFFFFE000  }
0xac: {  	_ =	swait.ge [sflag:s5], $0x400  }
0xad: {  	[sflag:s5] =	ssyncset.done $0x0  }
0xae: {  	[sflag:s5] =	ssyncadd.s32 $0xFFFFFC00  }
0xaf: {  	_ =	swait.ge [sflag:s0], $0x2000  }
0xb0: {  	[sflag:s0] =	ssyncset.done $0x0  }
0xb1: {  	[sflag:s0] =	ssyncadd.s32 $0xFFFFE000  }
0xb2: {  	_ =	swait.ge [sflag:s5], $0x400  }
0xb3: {  	[sflag:s5] =	ssyncset.done $0x0  }
0xb4: {  	[sflag:s5] =	ssyncadd.s32 $0xFFFFFC00  }
0xb5: {  	_ =	swait.ge [sflag:s0], $0x2000  }
0xb6: {  	[sflag:s0] =	ssyncset.done $0x0  }
0xb7: {  	[sflag:s0] =	ssyncadd.s32 $0xFFFFE000  }
0xb8: {  	_ =	swait.ge [sflag:s5], $0x400  }
0xb9: {  	[sflag:s5] =	ssyncset.done $0x0  }
0xba: {  	[sflag:s5] =	ssyncadd.s32 $0xFFFFFC00  }
0xbb: {  	_ =	swait.ge [sflag:s0], $0x2000  }
0xbc: {  	[sflag:s0] =	ssyncset.done $0x0  }
0xbd: {  	[sflag:s0] =	ssyncadd.s32 $0xFFFFE000  }
0xbe: {  	_ =	swait.ge [sflag:s5], $0x400  }
0xbf: {  	[sflag:s5] =	ssyncset.done $0x0  }
0xc0: {  	[sflag:s5] =	ssyncadd.s32 $0xFFFFFC00  }
0xc1: {  	_ =	swait.ge [sflag:s0], $0x2000  }
0xc2: {  	[sflag:s0] =	ssyncset.done $0x0  }
0xc3: {  	[sflag:s0] =	ssyncadd.s32 $0xFFFFE000  }
0xc4: {  	_ =	swait.ge [sflag:s5], $0x400  }
0xc5: {  	[sflag:s5] =	ssyncset.done $0x0  }
0xc6: {  	[sflag:s5] =	ssyncadd.s32 $0xFFFFFC00  }
0xc7: {  	_ =	swait.ge [sflag:s0], $0x2000  }
0xc8: {  	[sflag:s0] =	ssyncset.done $0x0  }
0xc9: {  	[sflag:s0] =	ssyncadd.s32 $0xFFFFE000  }
0xca: {  	_ =	swait.ge [sflag:s5], $0x400  }
0xcb: {  	[sflag:s5] =	ssyncset.done $0x0  }
0xcc: {  	[sflag:s5] =	ssyncadd.s32 $0xFFFFFC00  }
0xcd: {  	_ =	swait.ge [sflag:s0], $0x1800  }
0xce: {  	[sflag:s0] =	ssyncset.done $0x0  }
0xcf: {  	[sflag:s0] =	ssyncadd.s32 $0xFFFFE800  }
0xd0: {  	_ =	swait.ge [sflag:s5], $0x300  }
0xd1: {  	[sflag:s5] =	ssyncset.done $0x0  }
0xd2: {  	s6 =	simm.s32 @!p0 $0x9;
	[sflag:s5] =	ssyncadd.s32 $0xFFFFFD00  }
0xd3: {  	_ =	swait.ge @!p0 [sflag:s6], $0x800  }
0xd4: {  	[sflag:s6] =	ssyncset.done @!p0 $0x0  }
0xd5: {  	[sflag:s6] =	ssyncadd.s32 @!p0 $0xFFFFF800;
	s6 =	simm.s32 @!p0 $0xD  }
0xd6: {  	_ =	swait.ge @!p0 [sflag:s6], $0x100  }
0xd7: {  	[sflag:s6] =	ssyncset.done @!p0 $0x0  }
0xd8: {  	[sflag:s6] =	ssyncadd.s32 @!p0 $0xFFFFFF00  }
0xd9: {  	[bflag:$0x0] =	sbarrier.arrive $0xFFFF  }
0xda: {  	s6 =	simm.s32 $0x0;
	s25 =	rddreg [dreg:$0xb]  }
0xdb: {  	[tilespmem:s6], [sflag:$0x1] =	stream.linear.gather [hbm4b:s25+s6], $0x1000, $0x38;
	[tilespmem:$0x1E890] =	vst v63  }
0xdc: {  	s18 =	rddreg [dreg:$0xc];
	s25 =	simm.s32 $0x1000  }
0xdd: {  	[tilespmem:s25], [sflag:$0x1] =	stream.linear.gather [hbm4b:s18+s6], $0x1000, $0x38;
	[tilespmem:$0x1E890] =	vst v63  }
0xde: {  	s18 =	rddreg [dreg:$0xd]  }
0xdf: {  	[tilespmem:s8], [sflag:$0x5] =	stream.linear.gather [hbm4b:s18+s6], $0x40, $0x38;
	[tilespmem:$0x1E890] =	vst v63  }
0xe0: {  	_ =	swait.ge [sflag:s7], $0x1000  }
0xe1: {  	[sflag:s7] =	ssyncset.done $0x0  }
0xe2: {  	[sflag:s7] =	ssyncadd.s32 $0xFFFFF000  }
0xe3: {  	_ =	swait.ge [sflag:s7], $0x1000  }
0xe4: {  	[sflag:s7] =	ssyncset.done $0x0  }
0xe5: {  	[sflag:s7] =	ssyncadd.s32 $0xFFFFF000  }
0xe6: {  	_ =	swait.ge [sflag:s9], $0x40  }
0xe7: {  	[sflag:s9] =	ssyncset.done $0x0  }
0xe8: {  	[sflag:s9] =	ssyncadd.s32 $0xFFFFFFC0  }
0xe9: {  	[spmem:s23] =	stream.indirect.scatter.add.f32 [tilespmem:s6], [sflag:$0x9], $0x80, s8, s10, $0xb8;
	[tilespmem:$0x1E890] =	vst v63  }
0xea: {  	_ = 	snop  }
0xeb: {  	[spmem:s3] =	stream.indirect.scatter.add.f32 [tilespmem:s11], [sflag:$0xD], $0x10, s8, s10, $0xb8;
	[tilespmem:$0x1E890] =	vst v63  }
0xec: {  	_ =	swait.ge [sflag:s12], $0x1000  }
0xed: {  	[sflag:s12] =	ssyncset.done $0x0  }
0xee: {  	[sflag:s12] =	ssyncadd.s32 $0xFFFFF000  }
0xef: {  	_ =	swait.ge [sflag:s12], $0x1000  }
0xf0: {  	[sflag:s12] =	ssyncset.done $0x0  }
0xf1: {  	s22 =	simm.s32 $0x6;
	[sflag:s12] =	ssyncadd.s32 $0xFFFFF000  }
0xf2: {  	_ =	swait.ge [sflag:s22], $0x40  }
0xf3: {  	[sflag:s22] =	ssyncset.done $0x0  }
0xf4: {  	[sflag:s22] =	ssyncadd.s32 $0xFFFFFFC0  }
0xf5: {  	[spmem:s23] =	stream.indirect.scatter.add.f32 [tilespmem:s24], [sflag:$0xA], $0x80, s29, s10, $0xb8;
	[tilespmem:$0x1E890] =	vst v63  }
0xf6: {  	s18 =	simm.s32 $0x8100  }
0xf7: {  	[spmem:s3] =	stream.indirect.scatter.add.f32 [tilespmem:s18], [sflag:$0xE], $0x10, s29, s10, $0xb8;
	[tilespmem:$0x1E890] =	vst v63  }
0xf8: {  	_ =	swait.ge [sflag:s0], $0x2000  }
0xf9: {  	[sflag:s0] =	ssyncset.done $0x0  }
0xfa: {  	[sflag:s0] =	ssyncadd.s32 $0xFFFFE000  }
0xfb: {  	_ =	swait.ge [sflag:s5], $0x400  }
0xfc: {  	s0 =	rddreg [dreg:$0x7]  }
0xfd: {  	[sflag:s5] =	ssyncset.done $0x0;
	s6 =	sadd.s32 $0x0, s0  }
0xfe: {  	[sflag:s5] =	ssyncadd.s32 $0xFFFFFC00;
	s5 =	sld [smem:$0x7F7];
	s11 =	sadd.s32 $0x1000, s6  }
0xff: {  	[tilespmem:s4], [sflag:$0x1] =	stream.linear.gather [hbm4b:s11+s4], $0x1000, $0x38;
	[tilespmem:$0x1E890] =	vst v63  }
0x100: {  	s12 =	sadd.s32 $0x1200, s6  }
0x101: {  	[tilespmem:s25], [sflag:$0x1] =	stream.linear.gather [hbm4b:s12+s4], $0x1000, $0x38;
	[tilespmem:$0x1E890] =	vst v63  }
0x102: {  	s11 =	sadd.s32 $0xFFFFFFE8, s5  }
0x103: {  	[tilespmem:s8], [sflag:$0x5] =	stream.linear.gather [hbm4b:s11+s4], $0x40, $0x38;
	[tilespmem:$0x1E890] =	vst v63  }
0x104: {  	_ =	swait.ge [sflag:s16], $0x1000  }
0x105: {  	[sflag:s16] =	ssyncset.done $0x0  }
0x106: {  	[sflag:s16] =	ssyncadd.s32 $0xFFFFF000  }
0x107: {  	_ =	swait.ge [sflag:s16], $0x1000  }
0x108: {  	[sflag:s16] =	ssyncset.done $0x0  }
0x109: {  	[sflag:s16] =	ssyncadd.s32 $0xFFFFF000  }
0x10a: {  	_ =	swait.ge [sflag:s14], $0x40  }
0x10b: {  	[sflag:s14] =	ssyncset.done $0x0  }
0x10c: {  	[sflag:s14] =	ssyncadd.s32 $0xFFFFFFC0  }
0x10d: {  	[spmem:s23] =	stream.indirect.scatter.add.f32 [tilespmem:s26], [sflag:$0xB], $0x80, s28, s10, $0xb8;
	[tilespmem:$0x1E890] =	vst v63  }
0x10e: {  	_ = 	snop  }
0x10f: {  	[spmem:s3] =	stream.indirect.scatter.add.f32 [tilespmem:s18], [sflag:$0xF], $0x10, s28, s10, $0xb8;
	[tilespmem:$0x1E890] =	vst v63  }
0x110: {  	_ =	swait.ge [sflag:s15], $0x2000  }
0x111: {  	[sflag:s15] =	ssyncset.done $0x0  }
0x112: {  	[sflag:s15] =	ssyncadd.s32 $0xFFFFE000  }
0x113: {  	_ =	swait.ge [sflag:s19], $0x400  }
0x114: {  	[sflag:s19] =	ssyncset.done $0x0  }
0x115: {  	s12 =	sadd.s32 $0x1400, s6;
	[sflag:s19] =	ssyncadd.s32 $0xFFFFFC00  }
0x116: {  	[tilespmem:s24], [sflag:$0x2] =	stream.linear.gather [hbm4b:s12+s4], $0x1000, $0x38;
	[tilespmem:$0x1E890] =	vst v63  }
0x117: {  	s25 =	simm.s32 $0x3000;
	s14 =	sadd.s32 $0x1600, s6  }
0x118: {  	[tilespmem:s25], [sflag:$0x2] =	stream.linear.gather [hbm4b:s14+s4], $0x1000, $0x38;
	[tilespmem:$0x1E890] =	vst v63  }
0x119: {  	s15 =	sadd.s32 $0xFFFFFFF0, s5  }
0x11a: {  	[tilespmem:s29], [sflag:$0x6] =	stream.linear.gather [hbm4b:s15+s4], $0x40, $0x38;
	[tilespmem:$0x1E890] =	vst v63  }
0x11b: {  	_ =	swait.ge [sflag:s17], $0x1000  }
0x11c: {  	[sflag:s17] =	ssyncset.done $0x0  }
0x11d: {  	[sflag:s17] =	ssyncadd.s32 $0xFFFFF000  }
0x11e: {  	_ =	swait.ge [sflag:s17], $0x1000  }
0x11f: {  	[sflag:s17] =	ssyncset.done $0x0  }
0x120: {  	[sflag:s17] =	ssyncadd.s32 $0xFFFFF000  }
0x121: {  	_ =	swait.ge [sflag:s20], $0x40  }
0x122: {  	[sflag:s20] =	ssyncset.done $0x0  }
0x123: {  	s16 =	simm.s32 $0x6000;
	[sflag:s20] =	ssyncadd.s32 $0xFFFFFFC0  }
0x124: {  	[spmem:s23] =	stream.indirect.scatter.add.f32 [tilespmem:s16], [sflag:$0xC], $0x80, s31, s10, $0xb8;
	[tilespmem:$0x1E890] =	vst v63  }
0x125: {  	_ = 	snop  }
0x126: {  	[spmem:s3] =	stream.indirect.scatter.add.f32 [tilespmem:s18], [sflag:$0x10], $0x10, s31, s10, $0xb8;
	[tilespmem:$0x1E890] =	vst v63  }
0x127: {  	_ =	swait.ge [sflag:s13], $0x2000  }
0x128: {  	[sflag:s13] =	ssyncset.done $0x0  }
0x129: {  	[sflag:s13] =	ssyncadd.s32 $0xFFFFE000  }
0x12a: {  	_ =	swait.ge [sflag:s1], $0x400  }
0x12b: {  	[sflag:s1] =	ssyncset.done $0x0  }
0x12c: {  	s17 =	sadd.s32 $0x1800, s6;
	[sflag:s1] =	ssyncadd.s32 $0xFFFFFC00  }
0x12d: {  	[tilespmem:s26], [sflag:$0x3] =	stream.linear.gather [hbm4b:s17+s4], $0x1000, $0x38;
	[tilespmem:$0x1E890] =	vst v63  }
0x12e: {  	s19 =	sadd.s32 $0x1A00, s6;
	s20 =	simm.s32 $0x5000  }
0x12f: {  	[tilespmem:s20], [sflag:$0x3] =	stream.linear.gather [hbm4b:s19+s4], $0x1000, $0x38;
	[tilespmem:$0x1E890] =	vst v63  }
0x130: {  	s24 =	sadd.s32 $0xFFFFFFF8, s5  }
0x131: {  	[tilespmem:s28], [sflag:$0x7] =	stream.linear.gather [hbm4b:s24+s4], $0x40, $0x38;
	[tilespmem:$0x1E890] =	vst v63  }
0x132: {  	_ =	swait.ge [sflag:s7], $0x1000  }
0x133: {  	[sflag:s7] =	ssyncset.done $0x0  }
0x134: {  	[sflag:s7] =	ssyncadd.s32 $0xFFFFF000  }
0x135: {  	_ =	swait.ge [sflag:s7], $0x1000  }
0x136: {  	[sflag:s7] =	ssyncset.done $0x0  }
0x137: {  	[sflag:s7] =	ssyncadd.s32 $0xFFFFF000  }
0x138: {  	_ =	swait.ge [sflag:s9], $0x40  }
0x139: {  	[sflag:s9] =	ssyncset.done $0x0  }
0x13a: {  	s0 =	simm.s32 $0x5;
	s30 =	sadd.s32 $0x20, s5;
	[sflag:s9] =	ssyncadd.s32 $0xFFFFFFC0  }
0x13b: {  	[spmem:s23] =	stream.indirect.scatter.add.f32 [tilespmem:s4], [sflag:$0x9], $0x80, s8, s10, $0xb8;
	[tilespmem:$0x1E890] =	vst v63  }
0x13c: {  	s11 =	simm.s32 $0xC;
	s12 =	simm.s32 $0x1;
	s14 =	simm.s32 $0xD  }
0x13d: {  	[spmem:s3] =	stream.indirect.scatter.add.f32 [tilespmem:s18], [sflag:$0xD], $0x10, s8, s10, $0xb8;
	[tilespmem:$0x1E890] =	vst v63  }
0x13e: {  	s15 =	simm.s32 $0xA;
	s31 =	simm.s32 $0x8080;
	_ =	swait.ge [sflag:s21], $0x2000  }
0x13f: {  	s13 =	simm.s32 $0xB;
	s1 =	simm.s32 $0xF;
	[sflag:s21] =	ssyncset.done $0x0  }
0x140: {  	s26 =	sadd.s32 $0x1C00, s6;
	s6 =	sadd.s32 $0x1E00, s6;
	[sflag:s21] =	ssyncadd.s32 $0xFFFFE000  }
0x141: {  	s17 =	simm.s32 $0x2;
	s20 =	simm.s32 $0xE;
	_ =	swait.ge [sflag:s2], $0x400  }
0x142: {  	s19 =	simm.s32 $0x7;
	s28 =	simm.s32 $0x7000;
	[sflag:s2] =	ssyncset.done $0x0  }
0x143: {  	s9 =	simm.s32 $0x8000;
	s8 =	simm.s32 $0x80C0;
	[sflag:s2] =	ssyncadd.s32 $0xFFFFFC00  }
0x144: {  	[tilespmem:s16], [sflag:$0x4] =	stream.linear.gather [hbm4b:s26+s4], $0x1000, $0x38;
	[tilespmem:$0x1E890] =	vst v63  }
0x145: {  	s21 =	simm.s32 $0x8;
	s2 =	simm.s32 $0x4;
	s26 =	simm.s32 $0x1000  }
0x146: {  	[tilespmem:s28], [sflag:$0x4] =	stream.linear.gather [hbm4b:s6+s4], $0x1000, $0x38;
	[tilespmem:$0x1E890] =	vst v63  }
0x147: {  	s16 =	simm.s32 $0x3;
	s6 =	smov.u32 s5;
	s5 =	simm.s32 $0x9  }
.LBB2_4:
0x148: {  	[tilespmem:s8], [sflag:$0x8] =	stream.linear.gather [hbm4b:s6+s4], $0x40, $0x38;
	[tilespmem:$0x1E890] =	vst v63  }
0x149: {  	_ =	swait.ge [sflag:s17], $0x1000  }
0x14a: {  	[sflag:s17] =	ssyncset.done $0x0  }
0x14b: {  	[sflag:s17] =	ssyncadd.s32 $0xFFFFF000  }
0x14c: {  	_ =	swait.ge [sflag:s17], $0x1000  }
0x14d: {  	[sflag:s17] =	ssyncset.done $0x0  }
0x14e: {  	s7 =	simm.s32 $0x6;
	[sflag:s17] =	ssyncadd.s32 $0xFFFFF000  }
0x14f: {  	_ =	swait.ge [sflag:s7], $0x40  }
0x150: {  	[sflag:s7] =	ssyncset.done $0x0  }
0x151: {  	s28 =	simm.s32 $0x2000;
	[sflag:s7] =	ssyncadd.s32 $0xFFFFFFC0  }
0x152: {  	[spmem:s23] =	stream.indirect.scatter.add.f32 [tilespmem:s28], [sflag:$0xA], $0x80, s29, s10, $0xb8;
	[tilespmem:$0x1E890] =	vst v63  }
0x153: {  	_ = 	snop  }
0x154: {  	[spmem:s3] =	stream.indirect.scatter.add.f32 [tilespmem:s18], [sflag:$0xE], $0x10, s29, s10, $0xb8;
	[tilespmem:$0x1E890] =	vst v63  }
0x155: {  	_ =	swait.ge [sflag:s5], $0x2000  }
0x156: {  	[sflag:s5] =	ssyncset.done $0x0  }
0x157: {  	[sflag:s5] =	ssyncadd.s32 $0xFFFFE000  }
0x158: {  	_ =	swait.ge [sflag:s14], $0x400  }
0x159: {  	s22 =	smov.u32 s26;
	s25 =	rddreg [dreg:$0x7]  }
0x15a: {  	[sflag:s14] =	ssyncset.done $0x0;
	s22 =	sadd.s32 s22, s25  }
0x15b: {  	[sflag:s14] =	ssyncadd.s32 $0xFFFFFC00;
	s25 =	sadd.s32 $0x1000, s22  }
0x15c: {  	[tilespmem:s4], [sflag:$0x1] =	stream.linear.gather [hbm4b:s25+s4], $0x1000, $0x38;
	[tilespmem:$0x1E890] =	vst v63  }
0x15d: {  	s24 =	simm.s32 $0x1000;
	s7 =	sadd.s32 $0x1200, s22  }
0x15e: {  	[tilespmem:s24], [sflag:$0x1] =	stream.linear.gather [hbm4b:s7+s4], $0x1000, $0x38;
	[tilespmem:$0x1E890] =	vst v63  }
0x15f: {  	s7 =	sadd.s32 $0xFFFFFFE8, s30  }
0x160: {  	[tilespmem:s9], [sflag:$0x5] =	stream.linear.gather [hbm4b:s7+s4], $0x40, $0x38;
	[tilespmem:$0x1E890] =	vst v63  }
0x161: {  	_ =	swait.ge [sflag:s16], $0x1000  }
0x162: {  	[sflag:s16] =	ssyncset.done $0x0  }
0x163: {  	[sflag:s16] =	ssyncadd.s32 $0xFFFFF000  }
0x164: {  	_ =	swait.ge [sflag:s16], $0x1000  }
0x165: {  	[sflag:s16] =	ssyncset.done $0x0  }
0x166: {  	[sflag:s16] =	ssyncadd.s32 $0xFFFFF000  }
0x167: {  	_ =	swait.ge [sflag:s19], $0x40  }
0x168: {  	[sflag:s19] =	ssyncset.done $0x0  }
0x169: {  	s24 =	simm.s32 $0x4000;
	[sflag:s19] =	ssyncadd.s32 $0xFFFFFFC0  }
0x16a: {  	[spmem:s23] =	stream.indirect.scatter.add.f32 [tilespmem:s24], [sflag:$0xB], $0x80, s31, s10, $0xb8;
	[tilespmem:$0x1E890] =	vst v63  }
0x16b: {  	_ = 	snop  }
0x16c: {  	[spmem:s3] =	stream.indirect.scatter.add.f32 [tilespmem:s18], [sflag:$0xF], $0x10, s31, s10, $0xb8;
	[tilespmem:$0x1E890] =	vst v63  }
0x16d: {  	_ =	swait.ge [sflag:s15], $0x2000  }
0x16e: {  	[sflag:s15] =	ssyncset.done $0x0  }
0x16f: {  	[sflag:s15] =	ssyncadd.s32 $0xFFFFE000  }
0x170: {  	_ =	swait.ge [sflag:s20], $0x400  }
0x171: {  	[sflag:s20] =	ssyncset.done $0x0  }
0x172: {  	s25 =	sadd.s32 $0x1400, s22;
	[sflag:s20] =	ssyncadd.s32 $0xFFFFFC00  }
0x173: {  	[tilespmem:s28], [sflag:$0x2] =	stream.linear.gather [hbm4b:s25+s4], $0x1000, $0x38;
	[tilespmem:$0x1E890] =	vst v63  }
0x174: {  	s25 =	sadd.s32 $0x1600, s22;
	s28 =	simm.s32 $0x3000  }
0x175: {  	[tilespmem:s28], [sflag:$0x2] =	stream.linear.gather [hbm4b:s25+s4], $0x1000, $0x38;
	[tilespmem:$0x1E890] =	vst v63  }
0x176: {  	s25 =	sadd.s32 $0xFFFFFFF0, s30  }
0x177: {  	[tilespmem:s29], [sflag:$0x6] =	stream.linear.gather [hbm4b:s25+s4], $0x40, $0x38;
	[tilespmem:$0x1E890] =	vst v63  }
0x178: {  	_ =	swait.ge [sflag:s2], $0x1000  }
0x179: {  	[sflag:s2] =	ssyncset.done $0x0  }
0x17a: {  	[sflag:s2] =	ssyncadd.s32 $0xFFFFF000  }
0x17b: {  	_ =	swait.ge [sflag:s2], $0x1000  }
0x17c: {  	[sflag:s2] =	ssyncset.done $0x0  }
0x17d: {  	[sflag:s2] =	ssyncadd.s32 $0xFFFFF000  }
0x17e: {  	_ =	swait.ge [sflag:s21], $0x40  }
0x17f: {  	[sflag:s21] =	ssyncset.done $0x0  }
0x180: {  	s29 =	simm.s32 $0x6000;
	[sflag:s21] =	ssyncadd.s32 $0xFFFFFFC0  }
0x181: {  	[spmem:s23] =	stream.indirect.scatter.add.f32 [tilespmem:s29], [sflag:$0xC], $0x80, s8, s10, $0xb8;
	[tilespmem:$0x1E890] =	vst v63  }
0x182: {  	_ = 	snop  }
0x183: {  	[spmem:s3] =	stream.indirect.scatter.add.f32 [tilespmem:s18], [sflag:$0x10], $0x10, s8, s10, $0xb8;
	[tilespmem:$0x1E890] =	vst v63  }
0x184: {  	_ =	swait.ge [sflag:s13], $0x2000  }
0x185: {  	[sflag:s13] =	ssyncset.done $0x0  }
0x186: {  	[sflag:s13] =	ssyncadd.s32 $0xFFFFE000  }
0x187: {  	_ =	swait.ge [sflag:s1], $0x400  }
0x188: {  	[sflag:s1] =	ssyncset.done $0x0  }
0x189: {  	s25 =	sadd.s32 $0x1800, s22;
	[sflag:s1] =	ssyncadd.s32 $0xFFFFFC00  }
0x18a: {  	[tilespmem:s24], [sflag:$0x3] =	stream.linear.gather [hbm4b:s25+s4], $0x1000, $0x38;
	[tilespmem:$0x1E890] =	vst v63  }
0x18b: {  	s25 =	sadd.s32 $0x1A00, s22;
	s24 =	simm.s32 $0x5000  }
0x18c: {  	[tilespmem:s24], [sflag:$0x3] =	stream.linear.gather [hbm4b:s25+s4], $0x1000, $0x38;
	[tilespmem:$0x1E890] =	vst v63  }
0x18d: {  	s24 =	sadd.s32 $0xFFFFFFF8, s30  }
0x18e: {  	[tilespmem:s31], [sflag:$0x7] =	stream.linear.gather [hbm4b:s24+s4], $0x40, $0x38;
	[tilespmem:$0x1E890] =	vst v63  }
0x18f: {  	_ =	swait.ge [sflag:s12], $0x1000  }
0x190: {  	[sflag:s12] =	ssyncset.done $0x0  }
0x191: {  	[sflag:s12] =	ssyncadd.s32 $0xFFFFF000  }
0x192: {  	_ =	swait.ge [sflag:s12], $0x1000  }
0x193: {  	[sflag:s12] =	ssyncset.done $0x0  }
0x194: {  	[sflag:s12] =	ssyncadd.s32 $0xFFFFF000  }
0x195: {  	_ =	swait.ge [sflag:s0], $0x40  }
0x196: {  	[sflag:s0] =	ssyncset.done $0x0  }
0x197: {  	[sflag:s0] =	ssyncadd.s32 $0xFFFFFFC0  }
0x198: {  	[spmem:s23] =	stream.indirect.scatter.add.f32 [tilespmem:s4], [sflag:$0x9], $0x80, s9, s10, $0xb8;
	[tilespmem:$0x1E890] =	vst v63  }
0x199: {  	_ = 	snop  }
0x19a: {  	[spmem:s3] =	stream.indirect.scatter.add.f32 [tilespmem:s18], [sflag:$0xD], $0x10, s9, s10, $0xb8;
	[tilespmem:$0x1E890] =	vst v63  }
0x19b: {  	_ =	swait.ge [sflag:s11], $0x2000  }
0x19c: {  	s6 =	smov.u32 s30;
	p2 =	sne.s32 s26, $0x25000;
	[sflag:s11] =	ssyncset.done $0x0  }
0x19d: {  	s26 =	sadd.s32 $0x1000, s26;
	s25 =	simm.s32 $0x10;
	[sflag:s11] =	ssyncadd.s32 $0xFFFFE000  }
0x19e: {  	s7 =	simm.s32 $0x2000;
	s28 =	simm.s32 $0x4000;
	_ =	swait.ge [sflag:s25], $0x400  }
.Ltmp1:
0x19f: {  	s30 =	sadd.s32 $0x20, s30;
	[sflag:s25] =	ssyncset.done $0x0;
	(pc) =	sbr.rel @p2 .LBB2_4-.Ltmp1, $4  }
0x1a0: {  	s24 =	simm.s32 $0x6000;
	[sflag:s25] =	ssyncadd.s32 $0xFFFFFC00;
	s25 =	sadd.s32 $0x1C00, s22  }
0x1a1: {  	[tilespmem:s29], [sflag:$0x4] =	stream.linear.gather [hbm4b:s25+s4], $0x1000, $0x38;
	[tilespmem:$0x1E890] =	vst v63  }
0x1a2: {  	s22 =	sadd.s32 $0x1E00, s22;
	s29 =	simm.s32 $0x8040;
	s25 =	simm.s32 $0x7000  }
0x1a3: {  	[tilespmem:s25], [sflag:$0x4] =	stream.linear.gather [hbm4b:s22+s4], $0x1000, $0x38;
	[tilespmem:$0x1E890] =	vst v63  }
0x1a4: {  	[tilespmem:s8], [sflag:$0x8] =	stream.linear.gather [hbm4b:s6+s4], $0x40, $0x38;
	[tilespmem:$0x1E890] =	vst v63  }
0x1a5: {  	_ =	swait.ge [sflag:s17], $0x1000  }
0x1a6: {  	[sflag:s17] =	ssyncset.done $0x0  }
0x1a7: {  	[sflag:s17] =	ssyncadd.s32 $0xFFFFF000  }
0x1a8: {  	_ =	swait.ge [sflag:s17], $0x1000  }
0x1a9: {  	[sflag:s17] =	ssyncset.done $0x0  }
0x1aa: {  	s0 =	simm.s32 $0x6;
	[sflag:s17] =	ssyncadd.s32 $0xFFFFF000  }
0x1ab: {  	_ =	swait.ge [sflag:s0], $0x40  }
0x1ac: {  	[sflag:s0] =	ssyncset.done $0x0  }
0x1ad: {  	[sflag:s0] =	ssyncadd.s32 $0xFFFFFFC0  }
0x1ae: {  	[spmem:s23] =	stream.indirect.scatter.add.f32 [tilespmem:s7], [sflag:$0xA], $0x80, s29, s10, $0xb8;
	[tilespmem:$0x1E890] =	vst v63  }
0x1af: {  	_ = 	snop  }
0x1b0: {  	[spmem:s3] =	stream.indirect.scatter.add.f32 [tilespmem:s18], [sflag:$0xE], $0x10, s29, s10, $0xb8;
	[tilespmem:$0x1E890] =	vst v63  }
0x1b1: {  	_ =	swait.ge [sflag:s5], $0x2000  }
0x1b2: {  	[sflag:s5] =	ssyncset.done $0x0  }
0x1b3: {  	[sflag:s5] =	ssyncadd.s32 $0xFFFFE000  }
0x1b4: {  	_ =	swait.ge [sflag:s14], $0x400  }
0x1b5: {  	[sflag:s14] =	ssyncset.done $0x0  }
0x1b6: {  	[sflag:s14] =	ssyncadd.s32 $0xFFFFFC00  }
0x1b7: {  	_ =	swait.ge [sflag:s16], $0x1000  }
0x1b8: {  	[sflag:s16] =	ssyncset.done $0x0  }
0x1b9: {  	[sflag:s16] =	ssyncadd.s32 $0xFFFFF000  }
0x1ba: {  	_ =	swait.ge [sflag:s16], $0x1000  }
0x1bb: {  	[sflag:s16] =	ssyncset.done $0x0  }
0x1bc: {  	[sflag:s16] =	ssyncadd.s32 $0xFFFFF000  }
0x1bd: {  	_ =	swait.ge [sflag:s19], $0x40  }
0x1be: {  	[sflag:s19] =	ssyncset.done $0x0  }
0x1bf: {  	[sflag:s19] =	ssyncadd.s32 $0xFFFFFFC0  }
0x1c0: {  	[spmem:s23] =	stream.indirect.scatter.add.f32 [tilespmem:s28], [sflag:$0xB], $0x80, s31, s10, $0xb8;
	[tilespmem:$0x1E890] =	vst v63  }
0x1c1: {  	_ = 	snop  }
0x1c2: {  	[spmem:s3] =	stream.indirect.scatter.add.f32 [tilespmem:s18], [sflag:$0xF], $0x10, s31, s10, $0xb8;
	[tilespmem:$0x1E890] =	vst v63  }
0x1c3: {  	_ =	swait.ge [sflag:s15], $0x2000  }
0x1c4: {  	[sflag:s15] =	ssyncset.done $0x0  }
0x1c5: {  	[sflag:s15] =	ssyncadd.s32 $0xFFFFE000  }
0x1c6: {  	_ =	swait.ge [sflag:s20], $0x400  }
0x1c7: {  	[sflag:s20] =	ssyncset.done $0x0  }
0x1c8: {  	[sflag:s20] =	ssyncadd.s32 $0xFFFFFC00  }
0x1c9: {  	_ =	swait.ge [sflag:s2], $0x1000  }
0x1ca: {  	[sflag:s2] =	ssyncset.done $0x0  }
0x1cb: {  	[sflag:s2] =	ssyncadd.s32 $0xFFFFF000  }
0x1cc: {  	_ =	swait.ge [sflag:s2], $0x1000  }
0x1cd: {  	[sflag:s2] =	ssyncset.done $0x0  }
0x1ce: {  	[sflag:s2] =	ssyncadd.s32 $0xFFFFF000  }
0x1cf: {  	_ =	swait.ge [sflag:s21], $0x40  }
0x1d0: {  	[sflag:s21] =	ssyncset.done $0x0  }
0x1d1: {  	[sflag:s21] =	ssyncadd.s32 $0xFFFFFFC0  }
0x1d2: {  	[spmem:s23] =	stream.indirect.scatter.add.f32 [tilespmem:s24], [sflag:$0xC], $0x80, s8, s10, $0xb8;
	[tilespmem:$0x1E890] =	vst v63  }
0x1d3: {  	_ = 	snop  }
0x1d4: {  	[spmem:s3] =	stream.indirect.scatter.add.f32 [tilespmem:s18], [sflag:$0x10], $0x10, s8, s10, $0xb8;
	[tilespmem:$0x1E890] =	vst v63  }
0x1d5: {  	_ =	swait.ge [sflag:s13], $0x2000  }
0x1d6: {  	[sflag:s13] =	ssyncset.done $0x0  }
0x1d7: {  	[sflag:s13] =	ssyncadd.s32 $0xFFFFE000  }
0x1d8: {  	_ =	swait.ge [sflag:s1], $0x400  }
0x1d9: {  	[sflag:s1] =	ssyncset.done $0x0  }
0x1da: {  	[sflag:s1] =	ssyncadd.s32 $0xFFFFFC00  }
0x1db: {  	_ =	swait.ge [sflag:s11], $0x2000  }
0x1dc: {  	[sflag:s11] =	ssyncset.done $0x0  }
0x1dd: {  	s18 =	simm.s32 $0x10;
	[sflag:s11] =	ssyncadd.s32 $0xFFFFE000  }
0x1de: {  	_ =	swait.ge [sflag:s18], $0x400  }
0x1df: {  	s22 =	sld [smem:$0x7F2]  }
0x1e0: {  	[sflag:s18] =	ssyncset.done $0x0  }
0x1e1: {  	s6 =	simm.s32 @!p1 $0x0;
	[sflag:s18] =	ssyncadd.s32 $0xFFFFFC00  }
0x1e2: {  	[tilespmem:s6], [sflag:$0x11] =	stream.linear.gather @!p1 [hbm4b:s22+s6], $0x2000, $0x38;
	[tilespmem:$0x1E890] =	vst v63  }
0x1e3: {  	s22 =	simm.s32 @!p1 $0x11  }
0x1e4: {  	_ =	swait.ge @!p1 [sflag:s22], $0x2000  }
0x1e5: {  	s26 =	sld [smem:$0x7F3]  }
0x1e6: {  	[sflag:s22] =	ssyncset.done @!p1 $0x0  }
0x1e7: {  	s25 =	simm.s32 @!p1 $0x8000;
	[sflag:s22] =	ssyncadd.s32 @!p1 $0xFFFFE000  }
0x1e8: {  	[tilespmem:s25], [sflag:$0x11] =	stream.linear.gather @!p1 [hbm4b:s26+s6], $0x40, $0x38;
	[tilespmem:$0x1E890] =	vst v63  }
0x1e9: {  	_ =	swait.ge @!p1 [sflag:s22], $0x40  }
0x1ea: {  	[sflag:s22] =	ssyncset.done @!p1 $0x0  }
0x1eb: {  	s26 =	simm.s32 @!p1 $0x40;
	[sflag:s22] =	ssyncadd.s32 @!p1 $0xFFFFFFC0  }
0x1ec: {  	[spmem:s23] =	stream.indirect.scatter.add.f32 @!p1 [tilespmem:s6], [sflag:$0x11], $0x80, s25, s26, $0xb8;
	[tilespmem:$0x1E890] =	vst v63  }
0x1ed: {  	_ =	swait.ge @!p1 [sflag:s22], $0x2000  }
0x1ee: {  	[sflag:s22] =	ssyncset.done @!p1 $0x0  }
0x1ef: {  	s6 =	simm.s32 @!p1 $0x8100;
	[sflag:s22] =	ssyncadd.s32 @!p1 $0xFFFFE000  }
0x1f0: {  	[spmem:s3] =	stream.indirect.scatter.add.f32 @!p1 [tilespmem:s6], [sflag:$0x11], $0x10, s25, s26, $0xb8;
	[tilespmem:$0x1E890] =	vst v63  }
0x1f1: {  	_ =	swait.ge @!p1 [sflag:s22], $0x400  }
0x1f2: {  	[sflag:s22] =	ssyncset.done @!p1 $0x0  }
0x1f3: {  	[sflag:s22] =	ssyncadd.s32 @!p1 $0xFFFFFC00  }
0x1f4: {  	s19 =	stileid.u32;
	[bflag:$0x0] =	sbarrier.arrive $0xFFFF  }
0x1f5: {  	s6 =	sshll.u32 s19, $0x6;
	s30 =	rddreg [dreg:$0x12]  }
0x1f6: {  	s22 =	sor.u32 $0x1C01, s6;
	s21 =	rddreg [dreg:$0xe];
	s20 =	sshrl.u32 s30, $0x3  }
0x1f7: {  	[hbm:s21], [sflag:s22] =	dma.local [spmem:s20], $0x2700  }
0x1f8: {  	s25 =	rddreg [dreg:$0x13]  }
0x1f9: {  	s6 =	sor.u32 $0x1C05, s6;
	s26 =	rddreg [dreg:$0xf];
	s25 =	sshrl.u32 s25, $0x3  }
0x1fa: {  	[hbm:s26], [sflag:s6] =	dma.local [spmem:s25], $0x4E0  }
0x1fb: {  	s25 =	simm.s32 @p0 $0x1  }
0x1fc: {  	_ =	swait.ge @p0 [sflag:s25], $0x2700  }
0x1fd: {  	[sflag:s25] =	ssyncset.done @p0 $0x0  }
0x1fe: {  	[sflag:s25] =	ssyncadd.s32 @p0 $0xFFFFD900;
	s25 =	simm.s32 @p0 $0x5  }
0x1ff: {  	_ =	swait.ge @p0 [sflag:s25], $0x4E0  }
0x200: {  	[sflag:s25] =	ssyncset.done @p0 $0x0  }
0x201: {  	[sflag:s25] =	ssyncadd.s32 @p0 $0xFFFFFB20;
	s25 =	sld [smem:$0x7FC]  }
0x202: {  	s26 =	sld [smem:$0x7F4];
	_ =	sdelay $0x1  }
0x203: {  	s25 =	sshrl.u32 @!p0 s25, $0x3  }
0x204: {  	[hbm:s26], [sflag:s22] =	dma.local @!p0 [spmem:s25], $0x100  }
0x205: {  	s22 =	sld [smem:$0x7FD]  }
0x206: {  	s25 =	sld [smem:$0x7F5];
	_ =	sdelay $0x1  }
0x207: {  	s22 =	sshrl.u32 @!p0 s22, $0x3  }
0x208: {  	[hbm:s25], [sflag:s6] =	dma.local @!p0 [spmem:s22], $0x20  }
0x209: {  	s6 =	simm.s32 @!p0 $0x1  }
0x20a: {  	_ =	swait.ge @!p0 [sflag:s6], $0x2700  }
0x20b: {  	[sflag:s6] =	ssyncset.done @!p0 $0x0  }
0x20c: {  	s22 =	simm.s32 @!p0 $0x5;
	[sflag:s6] =	ssyncadd.s32 @!p0 $0xFFFFD900  }
0x20d: {  	_ =	swait.ge @!p0 [sflag:s22], $0x4E0  }
0x20e: {  	[sflag:s22] =	ssyncset.done @!p0 $0x0  }
0x20f: {  	[sflag:s22] =	ssyncadd.s32 @!p0 $0xFFFFFB20  }
0x210: {  	_ =	swait.ge @!p0 [sflag:s6], $0x100  }
0x211: {  	[sflag:s6] =	ssyncset.done @!p0 $0x0  }
0x212: {  	[sflag:s6] =	ssyncadd.s32 @!p0 $0xFFFFFF00  }
0x213: {  	_ =	swait.ge @!p0 [sflag:s22], $0x20  }
0x214: {  	s24 =	sld [smem:$0x7EB]  }
0x215: {  	s9 =	simm.s32 $0x5;
	s25 =	sld [smem:$0x7F6]  }
0x216: {  	s12 =	simm.s32 $0x2;
	s17 =	simm.s32 $0x4;
	s0 =	simm.s32 $0x9  }
0x217: {  	s7 =	simm.s32 $0x1;
	s5 =	simm.s32 $0xD;
	s26 =	sadd.s32 $0x1, s24  }
0x218: {  	s14 =	simm.s32 $0x7;
	s16 =	simm.s32 $0x3;
	p2 =	sne.s32 s26, s25  }
.Ltmp2:
0x219: {  	s28 =	simm.s32 $0x8080;
	s31 =	simm.s32 $0x80C0;
	(pc) =	sbr.rel @p2 .LBB2_1-.Ltmp2, $4  }
0x21a: {  	s15 =	simm.s32 $0xA;
	s2 =	simm.s32 $0x10;
	s8 =	simm.s32 $0x8000  }
0x21b: {  	s13 =	simm.s32 $0xB;
	s1 =	simm.s32 $0xF;
	s11 =	simm.s32 $0x8100  }
0x21c: {  	s19 =	simm.s32 $0xE;
	s20 =	simm.s32 $0x8;
	[sflag:s22] =	ssyncset.done @!p0 $0x0  }
0x21d: {  	s21 =	simm.s32 $0xC;
	[sflag:s22] =	ssyncadd.s32 @!p0 $0xFFFFFFE0;
	s25 =	simm.s32 $0x3000  }
0x21e: {  	_ =	sfence.sel $0x180000  }
0x21f: {  	[bflag:$0x0] =	sbarrier.arrive $0xFFFF  }
0x220: {  	_ =	strace $0x90000047  }
0x221: {  	s0 =	stileid.u32;
	[bflag:$0x2] =	sbarrier.arrive $0xFFFF  }
0x222: {  	p0 =	sne.s32 s0, $0x0;
	s0 =	rddreg [dreg:$0x6]  }
0x223: {  	s0 =	sadd.s32 @!p0 $0x100000, s0  }
0x224: {  	[sflag:s0] =	ssyncadd.tile.s32 @!p0 $0x1;
	_ =	shalt  }
.Lfunc_end2:
_tile_overlayer_lowered:
.L_overlay_start_2:
0x225: {  	(tag) =	ssettag $0x2  }
0x226: {  	s0 =	rddreg [dreg:$0x0];
	s2 =	stileid.u32  }
0x227: {  	s1 =	rddreg [dreg:$0x1];
	p0 =	sne.s32 s2, $0x0  }
0x228: {  	s3 =	rddreg [dreg:$0x2];
	[bflag:$0x3] =	sbarrier.arrive $0xFFFF;
	s2 =	simm.s32 @!p0 $0x1C11  }
0x229: {  	[timem:s3], [sflag:s2] =	dma.local @!p0 [hbm:s0], s1  }
0x22a: {  	s0 =	simm.s32 @!p0 $0x11  }
0x22b: {  	_ =	swait.ge @!p0 [sflag:s0], s1  }
0x22c: {  	s1 =	ssub.s32 @!p0 $0x0, s1;
	[sflag:s0] =	ssyncset.done @!p0 $0x0  }
0x22d: {  	[sflag:s0] =	ssyncadd.s32 @!p0 s1  }
0x22e: {  	[bflag:$0x3] =	sbarrier.arrive $0xFFFF  }
0x22f: {  	_ =	shalt  }

</sc_bundles>
